<compile_context>
chip_gen: v7x
topology: tpu7x:2x2x1
jax: 0.10.2.dev20260603
libtpu: 0.0.44.dev20260713+nightly
codegen_flags: <defaults>
</compile_context>

<pallas_src>
import dataclasses
import functools

import jax
import jax.numpy as jnp
from jax import lax
from jax.experimental import pallas as pl
from jax.experimental.pallas import tpu as pltpu
from jax.experimental.pallas import tpu_sc as plsc

B = 16384
LROW = 200
NCORES = 2
NSUB = 16
NW = NCORES * NSUB
NB = B // NW
LANES = 16
SUB = 128


def _sc_rowsum(xt, table2):
    mesh = plsc.VectorSubcoreMesh(core_axis_name="c", subcore_axis_name="s")
    cp = pltpu.CompilerParams()
    if "needs_layout_passes" in pltpu.CompilerParams.__dataclass_fields__:
        cp = dataclasses.replace(cp, needs_layout_passes=False)
    if "use_tc_tiling_on_sc" in pltpu.CompilerParams.__dataclass_fields__:
        cp = dataclasses.replace(cp, use_tc_tiling_on_sc=True)

    @functools.partial(
        pl.kernel,
        out_type=jax.ShapeDtypeStruct((B,), jnp.float32),
        mesh=mesh,
        compiler_params=cp,
        scratch_types=[
            pltpu.VMEM((128 * 128,), jnp.float32),
            pltpu.VMEM((LROW, SUB), jnp.int32),
            pltpu.VMEM((LROW, SUB), jnp.int32),
            pltpu.VMEM((NB,), jnp.float32),
            pltpu.SemaphoreType.DMA,
            pltpu.SemaphoreType.DMA,
        ],
    )
    def k(xt_hbm, table_hbm, out_hbm, table_v, b0, b1, out_v, s0, s1):
        wid = lax.axis_index("s") * NCORES + lax.axis_index("c")
        col0 = wid * NB
        pltpu.sync_copy(table_hbm, table_v)

        bufs = (b0, b1)
        sems = (s0, s1)
        cps = [None, None]
        cps[0] = pltpu.async_copy(xt_hbm.at[:, pl.ds(col0, SUB)], b0, s0)
        for sb in range(NB // SUB):
            cur = sb & 1
            nxt = cur ^ 1
            if sb + 1 < NB // SUB:
                cps[nxt] = pltpu.async_copy(
                    xt_hbm.at[:, pl.ds(col0 + (sb + 1) * SUB, SUB)],
                    bufs[nxt],
                    sems[nxt],
                )
            cps[cur].wait()
            block_v = bufs[cur]
            zero = jnp.zeros((LANES,), jnp.float32)

            @pl.loop(
                0, LROW // 2, init_carry=(zero,) * (SUB // LANES), unroll=2
            )
            def accs(lp, carry):
                l = lp * 2
                new = []
                for j in range(SUB // LANES):
                    lo = block_v[l, pl.ds(j * LANES, LANES)]
                    hi = block_v[l + 1, pl.ds(j * LANES, LANES)]
                    comb = lo + (hi << 7)
                    new.append(carry[j] + plsc.load_gather(table_v, [comb]))
                return tuple(new)

            for j in range(SUB // LANES):
                out_v[pl.ds(sb * SUB + j * LANES, LANES)] = accs[j]

        pltpu.sync_copy(out_v, out_hbm.at[pl.ds(col0, NB)])

    return k(xt, table2)


@jax.jit
def kernel(atomic_numbers, ref_energy_weight):
    w = ref_energy_weight.reshape(100)
    w128 = jnp.zeros((128,), jnp.float32).at[:100].set(w)
    table2 = (w128[None, :] + w128[:, None]).reshape(-1)
    return _sc_rowsum(atomic_numbers.T, table2)

# --- scband reference (transcript-rebuilt; emitter-appended) ---
"""Pipeline reference for scband-atom-ref-prior-89000312307883 (READ-ONLY COPY).

The authoritative reference and input builder live on the scoring server;
editing this copy changes nothing except your own understanding.
"""

import jax, jax.numpy as jnp
import numpy as np


def setup_inputs(seed: int = 0) -> dict:
    key = jax.random.key(seed)
    k1, k2 = jax.random.split(key)
    atomic_numbers = jax.random.randint(k1, (16384, 200), 0, 100, dtype=jnp.int32)
    # learned/pretrained parameter: ref_energy embedding table [100, 1]
    ref_energy_weight = jax.random.normal(k2, (100, 1), dtype=jnp.float32)
    return {"atomic_numbers": atomic_numbers, "ref_energy_weight": ref_energy_weight}


def reference(atomic_numbers, ref_energy_weight):
    # dict branch of AtomRefPrior.forward: self.ref_energy(inputs['atomic_numbers']).sum(1).squeeze(-1)
    emb = jnp.take(ref_energy_weight, atomic_numbers, axis=0)  # [B, L, 1] gather (embedding lookup)
    energy = emb.sum(axis=1)  # sum over atoms -> [B, 1]
    return energy.squeeze(-1)  # [B]

if __name__ == "__main__":
    import jax
    _d = setup_inputs()
    print(jax.jit(kernel)(*tuple(_d.values())))

</pallas_src>

<mosaic_0001>
#map = affine_map<(d0, d1) -> (0, 0)>
#map1 = affine_map<(d0, d1) -> (0)>
module attributes {stable_mosaic.version = 14 : i64} {
  func.func @k(%arg0: i32, %arg1: i32, %arg2: memref<200x16384xi32, #tpu.memory_space<hbm>>, %arg3: memref<16384xf32, #tpu.memory_space<hbm>>, %arg4: memref<16384xf32, #tpu.memory_space<hbm>>, %arg5: memref<16384xf32, #tpu.memory_space<vmem>>, %arg6: memref<200x128xi32, #tpu.memory_space<vmem>>, %arg7: memref<200x128xi32, #tpu.memory_space<vmem>>, %arg8: memref<512xf32, #tpu.memory_space<vmem>>, %arg9: memref<!tpu.dma_semaphore, #tpu.memory_space<semaphore_mem>>, %arg10: memref<!tpu.dma_semaphore, #tpu.memory_space<semaphore_mem>>) attributes {dimension_semantics = [#tpu.dimension_semantics<core_parallel>, #tpu.dimension_semantics<subcore_parallel>], iteration_bounds = array<i64: 2, 16>, scalar_prefetch = 0 : i64, scratch_operands = 6 : i64, tpu.core_type = #tpu.core_type<sc_vector_subcore>, window_params = [{transform_indices = #map}, {transform_indices = #map1}, {transform_indices = #map1}]} {
    %mul3A = arith.constant 2 : i32
    %mul3A_0 = arith.muli %arg1, %mul3A : i32
    %add3A = arith.addi %mul3A_0, %arg0 : i32
    %mul3A_1 = arith.constant 512 : i32
    %mul3A_2 = arith.muli %add3A, %mul3A_1 : i32
    "tpu.region"() ({
      %run_scoped3A = tpu.sem_alloc : memref<!tpu.dma_semaphore, #tpu.memory_space<semaphore_mem>>
      tpu.enqueue_dma source(%arg3 : memref<16384xf32, #tpu.memory_space<hbm>>) target(%arg5 : memref<16384xf32, #tpu.memory_space<vmem>>) target_semaphore(%run_scoped3A : memref<!tpu.dma_semaphore, #tpu.memory_space<semaphore_mem>>)
      tpu.wait_dma2 semaphore(%run_scoped3A : memref<!tpu.dma_semaphore, #tpu.memory_space<semaphore_mem>>) src(%arg3 : memref<16384xf32, #tpu.memory_space<hbm>>) dst(%arg5 : memref<16384xf32, #tpu.memory_space<vmem>>)
      tpu.yield
    }) : () -> ()
    %dma_start3A = arith.constant 0 : i32
    %dma_start3A_3 = tpu.memref_slice %arg2[%dma_start3A, %mul3A_2] : memref<200x16384xi32, #tpu.memory_space<hbm>> -> memref<200x128xi32, #tpu.memory_space<hbm>>
    %dma_start3A_4 = arith.constant 0 : i32
    %dma_start3A_5 = tpu.memref_slice %arg2[%dma_start3A_4, %mul3A_2] : memref<200x16384xi32, #tpu.memory_space<hbm>> -> memref<200x128xi32, #tpu.memory_space<hbm>>
    tpu.enqueue_dma source(%dma_start3A_5 : memref<200x128xi32, #tpu.memory_space<hbm>>) target(%arg6 : memref<200x128xi32, #tpu.memory_space<vmem>>) target_semaphore(%arg9 : memref<!tpu.dma_semaphore, #tpu.memory_space<semaphore_mem>>)
    %add3A_6 = arith.constant 128 : i32
    %add3A_7 = arith.addi %mul3A_2, %add3A_6 : i32
    %dma_start3A_8 = arith.constant 0 : i32
    %dma_start3A_9 = tpu.memref_slice %arg2[%dma_start3A_8, %add3A_7] : memref<200x16384xi32, #tpu.memory_space<hbm>> -> memref<200x128xi32, #tpu.memory_space<hbm>>
    %dma_start3A_10 = arith.constant 0 : i32
    %dma_start3A_11 = tpu.memref_slice %arg2[%dma_start3A_10, %add3A_7] : memref<200x16384xi32, #tpu.memory_space<hbm>> -> memref<200x128xi32, #tpu.memory_space<hbm>>
    tpu.enqueue_dma source(%dma_start3A_11 : memref<200x128xi32, #tpu.memory_space<hbm>>) target(%arg7 : memref<200x128xi32, #tpu.memory_space<vmem>>) target_semaphore(%arg10 : memref<!tpu.dma_semaphore, #tpu.memory_space<semaphore_mem>>)
    %dma_wait3A = arith.constant 0 : i32
    %dma_wait3A_12 = tpu.memref_slice %arg2[%dma_wait3A, %mul3A_2] : memref<200x16384xi32, #tpu.memory_space<hbm>> -> memref<200x128xi32, #tpu.memory_space<hbm>>
    %dma_wait3A_13 = arith.constant 0 : i32
    %dma_wait3A_14 = tpu.memref_slice %arg2[%dma_wait3A_13, %mul3A_2] : memref<200x16384xi32, #tpu.memory_space<hbm>> -> memref<200x128xi32, #tpu.memory_space<hbm>>
    tpu.wait_dma2 semaphore(%arg9 : memref<!tpu.dma_semaphore, #tpu.memory_space<semaphore_mem>>) src(%dma_wait3A_14 : memref<200x128xi32, #tpu.memory_space<hbm>>) dst(%arg6 : memref<200x128xi32, #tpu.memory_space<vmem>>)
    %broadcast_in_dim3A = arith.constant 0.000000e+00 : f32
    %broadcast_in_dim3A_15 = vector.broadcast %broadcast_in_dim3A : f32 to vector<16xf32>
    %scan3A = arith.constant 0 : i32
    %scan3A_16 = arith.constant 100 : i32
    %scan3A_17 = arith.addi %scan3A, %scan3A_16 : i32
    %scan3A_18 = arith.constant 2 : i32
    %scan3A_19:8 = scf.for %scan3A_132 = %scan3A to %scan3A_17 step %scan3A_18 iter_args(%scan3A_133 = %broadcast_in_dim3A_15, %scan3A_134 = %broadcast_in_dim3A_15, %scan3A_135 = %broadcast_in_dim3A_15, %scan3A_136 = %broadcast_in_dim3A_15, %scan3A_137 = %broadcast_in_dim3A_15, %scan3A_138 = %broadcast_in_dim3A_15, %scan3A_139 = %broadcast_in_dim3A_15, %scan3A_140 = %broadcast_in_dim3A_15) -> (vector<16xf32>, vector<16xf32>, vector<16xf32>, vector<16xf32>, vector<16xf32>, vector<16xf32>, vector<16xf32>, vector<16xf32>)  : i32 {
      %mul3A_141 = arith.constant 1 : i32
      %mul3A_142 = arith.muli %scan3A_132, %mul3A_141 : i32
      %add3A_143 = arith.constant 0 : i32
      %add3A_144 = arith.addi %add3A_143, %mul3A_142 : i32
      %mul3A_145 = arith.constant 2 : i32
      %mul3A_146 = arith.muli %add3A_144, %mul3A_145 : i32
      %get3A = arith.index_cast %mul3A_146 : i32 to index
      %get3A_147 = arith.constant 0 : index
      %get3A_148 = tpu.vector_load %arg6[%get3A, %get3A_147] {strides = array<i32>} : memref<200x128xi32, #tpu.memory_space<vmem>>, vector<16xi32>,
      %add3A_149 = arith.constant 1 : i32
      %add3A_150 = arith.addi %mul3A_146, %add3A_149 : i32
      %get3A_151 = arith.index_cast %add3A_150 : i32 to index
      %get3A_152 = arith.constant 0 : index
      %get3A_153 = tpu.vector_load %arg6[%get3A_151, %get3A_152] {strides = array<i32>} : memref<200x128xi32, #tpu.memory_space<vmem>>, vector<16xi32>,
      %shift_left3A = arith.constant 7 : i32
      %shift_left3A_154 = vector.broadcast %shift_left3A : i32 to vector<16xi32>
      %shift_left3A_155 = arith.shli %get3A_153, %shift_left3A_154 : vector<16xi32>
      %add3A_156 = arith.addi %get3A_148, %shift_left3A_155 : vector<16xi32>
      %gather3A = tpu.vector_load_idx %arg5[%add3A_156] : memref<16384xf32, #tpu.memory_space<vmem>>[vector<16xi32>], vector<16xf32>,
      %add3A_157 = arith.addf %scan3A_133, %gather3A : vector<16xf32>
      %get3A_158 = arith.index_cast %mul3A_146 : i32 to index
      %get3A_159 = arith.constant 16 : index
      %get3A_160 = tpu.vector_load %arg6[%get3A_158, %get3A_159] {strides = array<i32>} : memref<200x128xi32, #tpu.memory_space<vmem>>, vector<16xi32>,
      %add3A_161 = arith.constant 1 : i32
      %add3A_162 = arith.addi %mul3A_146, %add3A_161 : i32
      %get3A_163 = arith.index_cast %add3A_162 : i32 to index
      %get3A_164 = arith.constant 16 : index
      %get3A_165 = tpu.vector_load %arg6[%get3A_163, %get3A_164] {strides = array<i32>} : memref<200x128xi32, #tpu.memory_space<vmem>>, vector<16xi32>,
      %shift_left3A_166 = arith.constant 7 : i32
      %shift_left3A_167 = vector.broadcast %shift_left3A_166 : i32 to vector<16xi32>
      %shift_left3A_168 = arith.shli %get3A_165, %shift_left3A_167 : vector<16xi32>
      %add3A_169 = arith.addi %get3A_160, %shift_left3A_168 : vector<16xi32>
      %gather3A_170 = tpu.vector_load_idx %arg5[%add3A_169] : memref<16384xf32, #tpu.memory_space<vmem>>[vector<16xi32>], vector<16xf32>,
      %add3A_171 = arith.addf %scan3A_134, %gather3A_170 : vector<16xf32>
      %get3A_172 = arith.index_cast %mul3A_146 : i32 to index
      %get3A_173 = arith.constant 32 : index
      %get3A_174 = tpu.vector_load %arg6[%get3A_172, %get3A_173] {strides = array<i32>} : memref<200x128xi32, #tpu.memory_space<vmem>>, vector<16xi32>,
      %add3A_175 = arith.constant 1 : i32
      %add3A_176 = arith.addi %mul3A_146, %add3A_175 : i32
      %get3A_177 = arith.index_cast %add3A_176 : i32 to index
      %get3A_178 = arith.constant 32 : index
      %get3A_179 = tpu.vector_load %arg6[%get3A_177, %get3A_178] {strides = array<i32>} : memref<200x128xi32, #tpu.memory_space<vmem>>, vector<16xi32>,
      %shift_left3A_180 = arith.constant 7 : i32
      %shift_left3A_181 = vector.broadcast %shift_left3A_180 : i32 to vector<16xi32>
      %shift_left3A_182 = arith.shli %get3A_179, %shift_left3A_181 : vector<16xi32>
      %add3A_183 = arith.addi %get3A_174, %shift_left3A_182 : vector<16xi32>
      %gather3A_184 = tpu.vector_load_idx %arg5[%add3A_183] : memref<16384xf32, #tpu.memory_space<vmem>>[vector<16xi32>], vector<16xf32>,
      %add3A_185 = arith.addf %scan3A_135, %gather3A_184 : vector<16xf32>
      %get3A_186 = arith.index_cast %mul3A_146 : i32 to index
      %get3A_187 = arith.constant 48 : index
      %get3A_188 = tpu.vector_load %arg6[%get3A_186, %get3A_187] {strides = array<i32>} : memref<200x128xi32, #tpu.memory_space<vmem>>, vector<16xi32>,
      %add3A_189 = arith.constant 1 : i32
      %add3A_190 = arith.addi %mul3A_146, %add3A_189 : i32
      %get3A_191 = arith.index_cast %add3A_190 : i32 to index
      %get3A_192 = arith.constant 48 : index
      %get3A_193 = tpu.vector_load %arg6[%get3A_191, %get3A_192] {strides = array<i32>} : memref<200x128xi32, #tpu.memory_space<vmem>>, vector<16xi32>,
      %shift_left3A_194 = arith.constant 7 : i32
      %shift_left3A_195 = vector.broadcast %shift_left3A_194 : i32 to vector<16xi32>
      %shift_left3A_196 = arith.shli %get3A_193, %shift_left3A_195 : vector<16xi32>
      %add3A_197 = arith.addi %get3A_188, %shift_left3A_196 : vector<16xi32>
      %gather3A_198 = tpu.vector_load_idx %arg5[%add3A_197] : memref<16384xf32, #tpu.memory_space<vmem>>[vector<16xi32>], vector<16xf32>,
      %add3A_199 = arith.addf %scan3A_136, %gather3A_198 : vector<16xf32>
      %get3A_200 = arith.index_cast %mul3A_146 : i32 to index
      %get3A_201 = arith.constant 64 : index
      %get3A_202 = tpu.vector_load %arg6[%get3A_200, %get3A_201] {strides = array<i32>} : memref<200x128xi32, #tpu.memory_space<vmem>>, vector<16xi32>,
      %add3A_203 = arith.constant 1 : i32
      %add3A_204 = arith.addi %mul3A_146, %add3A_203 : i32
      %get3A_205 = arith.index_cast %add3A_204 : i32 to index
      %get3A_206 = arith.constant 64 : index
      %get3A_207 = tpu.vector_load %arg6[%get3A_205, %get3A_206] {strides = array<i32>} : memref<200x128xi32, #tpu.memory_space<vmem>>, vector<16xi32>,
      %shift_left3A_208 = arith.constant 7 : i32
      %shift_left3A_209 = vector.broadcast %shift_left3A_208 : i32 to vector<16xi32>
      %shift_left3A_210 = arith.shli %get3A_207, %shift_left3A_209 : vector<16xi32>
      %add3A_211 = arith.addi %get3A_202, %shift_left3A_210 : vector<16xi32>
      %gather3A_212 = tpu.vector_load_idx %arg5[%add3A_211] : memref<16384xf32, #tpu.memory_space<vmem>>[vector<16xi32>], vector<16xf32>,
      %add3A_213 = arith.addf %scan3A_137, %gather3A_212 : vector<16xf32>
      %get3A_214 = arith.index_cast %mul3A_146 : i32 to index
      %get3A_215 = arith.constant 80 : index
      %get3A_216 = tpu.vector_load %arg6[%get3A_214, %get3A_215] {strides = array<i32>} : memref<200x128xi32, #tpu.memory_space<vmem>>, vector<16xi32>,
      %add3A_217 = arith.constant 1 : i32
      %add3A_218 = arith.addi %mul3A_146, %add3A_217 : i32
      %get3A_219 = arith.index_cast %add3A_218 : i32 to index
      %get3A_220 = arith.constant 80 : index
      %get3A_221 = tpu.vector_load %arg6[%get3A_219, %get3A_220] {strides = array<i32>} : memref<200x128xi32, #tpu.memory_space<vmem>>, vector<16xi32>,
      %shift_left3A_222 = arith.constant 7 : i32
      %shift_left3A_223 = vector.broadcast %shift_left3A_222 : i32 to vector<16xi32>
      %shift_left3A_224 = arith.shli %get3A_221, %shift_left3A_223 : vector<16xi32>
      %add3A_225 = arith.addi %get3A_216, %shift_left3A_224 : vector<16xi32>
      %gather3A_226 = tpu.vector_load_idx %arg5[%add3A_225] : memref<16384xf32, #tpu.memory_space<vmem>>[vector<16xi32>], vector<16xf32>,
      %add3A_227 = arith.addf %scan3A_138, %gather3A_226 : vector<16xf32>
      %get3A_228 = arith.index_cast %mul3A_146 : i32 to index
      %get3A_229 = arith.constant 96 : index
      %get3A_230 = tpu.vector_load %arg6[%get3A_228, %get3A_229] {strides = array<i32>} : memref<200x128xi32, #tpu.memory_space<vmem>>, vector<16xi32>,
      %add3A_231 = arith.constant 1 : i32
      %add3A_232 = arith.addi %mul3A_146, %add3A_231 : i32
      %get3A_233 = arith.index_cast %add3A_232 : i32 to index
      %get3A_234 = arith.constant 96 : index
      %get3A_235 = tpu.vector_load %arg6[%get3A_233, %get3A_234] {strides = array<i32>} : memref<200x128xi32, #tpu.memory_space<vmem>>, vector<16xi32>,
      %shift_left3A_236 = arith.constant 7 : i32
      %shift_left3A_237 = vector.broadcast %shift_left3A_236 : i32 to vector<16xi32>
      %shift_left3A_238 = arith.shli %get3A_235, %shift_left3A_237 : vector<16xi32>
      %add3A_239 = arith.addi %get3A_230, %shift_left3A_238 : vector<16xi32>
      %gather3A_240 = tpu.vector_load_idx %arg5[%add3A_239] : memref<16384xf32, #tpu.memory_space<vmem>>[vector<16xi32>], vector<16xf32>,
      %add3A_241 = arith.addf %scan3A_139, %gather3A_240 : vector<16xf32>
      %get3A_242 = arith.index_cast %mul3A_146 : i32 to index
      %get3A_243 = arith.constant 112 : index
      %get3A_244 = tpu.vector_load %arg6[%get3A_242, %get3A_243] {strides = array<i32>} : memref<200x128xi32, #tpu.memory_space<vmem>>, vector<16xi32>,
      %add3A_245 = arith.constant 1 : i32
      %add3A_246 = arith.addi %mul3A_146, %add3A_245 : i32
      %get3A_247 = arith.index_cast %add3A_246 : i32 to index
      %get3A_248 = arith.constant 112 : index
      %get3A_249 = tpu.vector_load %arg6[%get3A_247, %get3A_248] {strides = array<i32>} : memref<200x128xi32, #tpu.memory_space<vmem>>, vector<16xi32>,
      %shift_left3A_250 = arith.constant 7 : i32
      %shift_left3A_251 = vector.broadcast %shift_left3A_250 : i32 to vector<16xi32>
      %shift_left3A_252 = arith.shli %get3A_249, %shift_left3A_251 : vector<16xi32>
      %add3A_253 = arith.addi %get3A_244, %shift_left3A_252 : vector<16xi32>
      %gather3A_254 = tpu.vector_load_idx %arg5[%add3A_253] : memref<16384xf32, #tpu.memory_space<vmem>>[vector<16xi32>], vector<16xf32>,
      %add3A_255 = arith.addf %scan3A_140, %gather3A_254 : vector<16xf32>
      %scan3A_256 = arith.constant 1 : i32
      %scan3A_257 = arith.addi %scan3A_132, %scan3A_256 : i32
      %mul3A_258 = arith.constant 1 : i32
      %mul3A_259 = arith.muli %scan3A_257, %mul3A_258 : i32
      %add3A_260 = arith.constant 0 : i32
      %add3A_261 = arith.addi %add3A_260, %mul3A_259 : i32
      %mul3A_262 = arith.constant 2 : i32
      %mul3A_263 = arith.muli %add3A_261, %mul3A_262 : i32
      %get3A_264 = arith.index_cast %mul3A_263 : i32 to index
      %get3A_265 = arith.constant 0 : index
      %get3A_266 = tpu.vector_load %arg6[%get3A_264, %get3A_265] {strides = array<i32>} : memref<200x128xi32, #tpu.memory_space<vmem>>, vector<16xi32>,
      %add3A_267 = arith.constant 1 : i32
      %add3A_268 = arith.addi %mul3A_263, %add3A_267 : i32
      %get3A_269 = arith.index_cast %add3A_268 : i32 to index
      %get3A_270 = arith.constant 0 : index
      %get3A_271 = tpu.vector_load %arg6[%get3A_269, %get3A_270] {strides = array<i32>} : memref<200x128xi32, #tpu.memory_space<vmem>>, vector<16xi32>,
      %shift_left3A_272 = arith.constant 7 : i32
      %shift_left3A_273 = vector.broadcast %shift_left3A_272 : i32 to vector<16xi32>
      %shift_left3A_274 = arith.shli %get3A_271, %shift_left3A_273 : vector<16xi32>
      %add3A_275 = arith.addi %get3A_266, %shift_left3A_274 : vector<16xi32>
      %gather3A_276 = tpu.vector_load_idx %arg5[%add3A_275] : memref<16384xf32, #tpu.memory_space<vmem>>[vector<16xi32>], vector<16xf32>,
      %add3A_277 = arith.addf %add3A_157, %gather3A_276 : vector<16xf32>
      %get3A_278 = arith.index_cast %mul3A_263 : i32 to index
      %get3A_279 = arith.constant 16 : index
      %get3A_280 = tpu.vector_load %arg6[%get3A_278, %get3A_279] {strides = array<i32>} : memref<200x128xi32, #tpu.memory_space<vmem>>, vector<16xi32>,
      %add3A_281 = arith.constant 1 : i32
      %add3A_282 = arith.addi %mul3A_263, %add3A_281 : i32
      %get3A_283 = arith.index_cast %add3A_282 : i32 to index
      %get3A_284 = arith.constant 16 : index
      %get3A_285 = tpu.vector_load %arg6[%get3A_283, %get3A_284] {strides = array<i32>} : memref<200x128xi32, #tpu.memory_space<vmem>>, vector<16xi32>,
      %shift_left3A_286 = arith.constant 7 : i32
      %shift_left3A_287 = vector.broadcast %shift_left3A_286 : i32 to vector<16xi32>
      %shift_left3A_288 = arith.shli %get3A_285, %shift_left3A_287 : vector<16xi32>
      %add3A_289 = arith.addi %get3A_280, %shift_left3A_288 : vector<16xi32>
      %gather3A_290 = tpu.vector_load_idx %arg5[%add3A_289] : memref<16384xf32, #tpu.memory_space<vmem>>[vector<16xi32>], vector<16xf32>,
      %add3A_291 = arith.addf %add3A_171, %gather3A_290 : vector<16xf32>
      %get3A_292 = arith.index_cast %mul3A_263 : i32 to index
      %get3A_293 = arith.constant 32 : index
      %get3A_294 = tpu.vector_load %arg6[%get3A_292, %get3A_293] {strides = array<i32>} : memref<200x128xi32, #tpu.memory_space<vmem>>, vector<16xi32>,
      %add3A_295 = arith.constant 1 : i32
      %add3A_296 = arith.addi %mul3A_263, %add3A_295 : i32
      %get3A_297 = arith.index_cast %add3A_296 : i32 to index
      %get3A_298 = arith.constant 32 : index
      %get3A_299 = tpu.vector_load %arg6[%get3A_297, %get3A_298] {strides = array<i32>} : memref<200x128xi32, #tpu.memory_space<vmem>>, vector<16xi32>,
      %shift_left3A_300 = arith.constant 7 : i32
      %shift_left3A_301 = vector.broadcast %shift_left3A_300 : i32 to vector<16xi32>
      %shift_left3A_302 = arith.shli %get3A_299, %shift_left3A_301 : vector<16xi32>
      %add3A_303 = arith.addi %get3A_294, %shift_left3A_302 : vector<16xi32>
      %gather3A_304 = tpu.vector_load_idx %arg5[%add3A_303] : memref<16384xf32, #tpu.memory_space<vmem>>[vector<16xi32>], vector<16xf32>,
      %add3A_305 = arith.addf %add3A_185, %gather3A_304 : vector<16xf32>
      %get3A_306 = arith.index_cast %mul3A_263 : i32 to index
      %get3A_307 = arith.constant 48 : index
      %get3A_308 = tpu.vector_load %arg6[%get3A_306, %get3A_307] {strides = array<i32>} : memref<200x128xi32, #tpu.memory_space<vmem>>, vector<16xi32>,
      %add3A_309 = arith.constant 1 : i32
      %add3A_310 = arith.addi %mul3A_263, %add3A_309 : i32
      %get3A_311 = arith.index_cast %add3A_310 : i32 to index
      %get3A_312 = arith.constant 48 : index
      %get3A_313 = tpu.vector_load %arg6[%get3A_311, %get3A_312] {strides = array<i32>} : memref<200x128xi32, #tpu.memory_space<vmem>>, vector<16xi32>,
      %shift_left3A_314 = arith.constant 7 : i32
      %shift_left3A_315 = vector.broadcast %shift_left3A_314 : i32 to vector<16xi32>
      %shift_left3A_316 = arith.shli %get3A_313, %shift_left3A_315 : vector<16xi32>
      %add3A_317 = arith.addi %get3A_308, %shift_left3A_316 : vector<16xi32>
      %gather3A_318 = tpu.vector_load_idx %arg5[%add3A_317] : memref<16384xf32, #tpu.memory_space<vmem>>[vector<16xi32>], vector<16xf32>,
      %add3A_319 = arith.addf %add3A_199, %gather3A_318 : vector<16xf32>
      %get3A_320 = arith.index_cast %mul3A_263 : i32 to index
      %get3A_321 = arith.constant 64 : index
      %get3A_322 = tpu.vector_load %arg6[%get3A_320, %get3A_321] {strides = array<i32>} : memref<200x128xi32, #tpu.memory_space<vmem>>, vector<16xi32>,
      %add3A_323 = arith.constant 1 : i32
      %add3A_324 = arith.addi %mul3A_263, %add3A_323 : i32
      %get3A_325 = arith.index_cast %add3A_324 : i32 to index
      %get3A_326 = arith.constant 64 : index
      %get3A_327 = tpu.vector_load %arg6[%get3A_325, %get3A_326] {strides = array<i32>} : memref<200x128xi32, #tpu.memory_space<vmem>>, vector<16xi32>,
      %shift_left3A_328 = arith.constant 7 : i32
      %shift_left3A_329 = vector.broadcast %shift_left3A_328 : i32 to vector<16xi32>
      %shift_left3A_330 = arith.shli %get3A_327, %shift_left3A_329 : vector<16xi32>
      %add3A_331 = arith.addi %get3A_322, %shift_left3A_330 : vector<16xi32>
      %gather3A_332 = tpu.vector_load_idx %arg5[%add3A_331] : memref<16384xf32, #tpu.memory_space<vmem>>[vector<16xi32>], vector<16xf32>,
      %add3A_333 = arith.addf %add3A_213, %gather3A_332 : vector<16xf32>
      %get3A_334 = arith.index_cast %mul3A_263 : i32 to index
      %get3A_335 = arith.constant 80 : index
      %get3A_336 = tpu.vector_load %arg6[%get3A_334, %get3A_335] {strides = array<i32>} : memref<200x128xi32, #tpu.memory_space<vmem>>, vector<16xi32>,
      %add3A_337 = arith.constant 1 : i32
      %add3A_338 = arith.addi %mul3A_263, %add3A_337 : i32
      %get3A_339 = arith.index_cast %add3A_338 : i32 to index
      %get3A_340 = arith.constant 80 : index
      %get3A_341 = tpu.vector_load %arg6[%get3A_339, %get3A_340] {strides = array<i32>} : memref<200x128xi32, #tpu.memory_space<vmem>>, vector<16xi32>,
      %shift_left3A_342 = arith.constant 7 : i32
      %shift_left3A_343 = vector.broadcast %shift_left3A_342 : i32 to vector<16xi32>
      %shift_left3A_344 = arith.shli %get3A_341, %shift_left3A_343 : vector<16xi32>
      %add3A_345 = arith.addi %get3A_336, %shift_left3A_344 : vector<16xi32>
      %gather3A_346 = tpu.vector_load_idx %arg5[%add3A_345] : memref<16384xf32, #tpu.memory_space<vmem>>[vector<16xi32>], vector<16xf32>,
      %add3A_347 = arith.addf %add3A_227, %gather3A_346 : vector<16xf32>
      %get3A_348 = arith.index_cast %mul3A_263 : i32 to index
      %get3A_349 = arith.constant 96 : index
      %get3A_350 = tpu.vector_load %arg6[%get3A_348, %get3A_349] {strides = array<i32>} : memref<200x128xi32, #tpu.memory_space<vmem>>, vector<16xi32>,
      %add3A_351 = arith.constant 1 : i32
      %add3A_352 = arith.addi %mul3A_263, %add3A_351 : i32
      %get3A_353 = arith.index_cast %add3A_352 : i32 to index
      %get3A_354 = arith.constant 96 : index
      %get3A_355 = tpu.vector_load %arg6[%get3A_353, %get3A_354] {strides = array<i32>} : memref<200x128xi32, #tpu.memory_space<vmem>>, vector<16xi32>,
      %shift_left3A_356 = arith.constant 7 : i32
      %shift_left3A_357 = vector.broadcast %shift_left3A_356 : i32 to vector<16xi32>
      %shift_left3A_358 = arith.shli %get3A_355, %shift_left3A_357 : vector<16xi32>
      %add3A_359 = arith.addi %get3A_350, %shift_left3A_358 : vector<16xi32>
      %gather3A_360 = tpu.vector_load_idx %arg5[%add3A_359] : memref<16384xf32, #tpu.memory_space<vmem>>[vector<16xi32>], vector<16xf32>,
      %add3A_361 = arith.addf %add3A_241, %gather3A_360 : vector<16xf32>
      %get3A_362 = arith.index_cast %mul3A_263 : i32 to index
      %get3A_363 = arith.constant 112 : index
      %get3A_364 = tpu.vector_load %arg6[%get3A_362, %get3A_363] {strides = array<i32>} : memref<200x128xi32, #tpu.memory_space<vmem>>, vector<16xi32>,
      %add3A_365 = arith.constant 1 : i32
      %add3A_366 = arith.addi %mul3A_263, %add3A_365 : i32
      %get3A_367 = arith.index_cast %add3A_366 : i32 to index
      %get3A_368 = arith.constant 112 : index
      %get3A_369 = tpu.vector_load %arg6[%get3A_367, %get3A_368] {strides = array<i32>} : memref<200x128xi32, #tpu.memory_space<vmem>>, vector<16xi32>,
      %shift_left3A_370 = arith.constant 7 : i32
      %shift_left3A_371 = vector.broadcast %shift_left3A_370 : i32 to vector<16xi32>
      %shift_left3A_372 = arith.shli %get3A_369, %shift_left3A_371 : vector<16xi32>
      %add3A_373 = arith.addi %get3A_364, %shift_left3A_372 : vector<16xi32>
      %gather3A_374 = tpu.vector_load_idx %arg5[%add3A_373] : memref<16384xf32, #tpu.memory_space<vmem>>[vector<16xi32>], vector<16xf32>,
      %add3A_375 = arith.addf %add3A_255, %gather3A_374 : vector<16xf32>
      scf.yield %add3A_277, %add3A_291, %add3A_305, %add3A_319, %add3A_333, %add3A_347, %add3A_361, %add3A_375 : vector<16xf32>, vector<16xf32>, vector<16xf32>, vector<16xf32>, vector<16xf32>, vector<16xf32>, vector<16xf32>, vector<16xf32>
    }
    %scan3A_20 = arith.constant 100 : i32
    %swap3A = arith.constant 0 : index
    %swap3A_21 = tpu.vector_load %arg8[%swap3A] {strides = array<i32>} : memref<512xf32, #tpu.memory_space<vmem>>, vector<16xf32>,
    tpu.vector_store %arg8[%swap3A], %scan3A_19#0 {strides = array<i32>} : memref<512xf32, #tpu.memory_space<vmem>>, vector<16xf32>,
    %swap3A_22 = arith.constant 16 : index
    %swap3A_23 = tpu.vector_load %arg8[%swap3A_22] {strides = array<i32>} : memref<512xf32, #tpu.memory_space<vmem>>, vector<16xf32>,
    tpu.vector_store %arg8[%swap3A_22], %scan3A_19#1 {strides = array<i32>} : memref<512xf32, #tpu.memory_space<vmem>>, vector<16xf32>,
    %swap3A_24 = arith.constant 32 : index
    %swap3A_25 = tpu.vector_load %arg8[%swap3A_24] {strides = array<i32>} : memref<512xf32, #tpu.memory_space<vmem>>, vector<16xf32>,
    tpu.vector_store %arg8[%swap3A_24], %scan3A_19#2 {strides = array<i32>} : memref<512xf32, #tpu.memory_space<vmem>>, vector<16xf32>,
    %swap3A_26 = arith.constant 48 : index
    %swap3A_27 = tpu.vector_load %arg8[%swap3A_26] {strides = array<i32>} : memref<512xf32, #tpu.memory_space<vmem>>, vector<16xf32>,
    tpu.vector_store %arg8[%swap3A_26], %scan3A_19#3 {strides = array<i32>} : memref<512xf32, #tpu.memory_space<vmem>>, vector<16xf32>,
    %swap3A_28 = arith.constant 64 : index
    %swap3A_29 = tpu.vector_load %arg8[%swap3A_28] {strides = array<i32>} : memref<512xf32, #tpu.memory_space<vmem>>, vector<16xf32>,
    tpu.vector_store %arg8[%swap3A_28], %scan3A_19#4 {strides = array<i32>} : memref<512xf32, #tpu.memory_space<vmem>>, vector<16xf32>,
    %swap3A_30 = arith.constant 80 : index
    %swap3A_31 = tpu.vector_load %arg8[%swap3A_30] {strides = array<i32>} : memref<512xf32, #tpu.memory_space<vmem>>, vector<16xf32>,
    tpu.vector_store %arg8[%swap3A_30], %scan3A_19#5 {strides = array<i32>} : memref<512xf32, #tpu.memory_space<vmem>>, vector<16xf32>,
    %swap3A_32 = arith.constant 96 : index
    %swap3A_33 = tpu.vector_load %arg8[%swap3A_32] {strides = array<i32>} : memref<512xf32, #tpu.memory_space<vmem>>, vector<16xf32>,
    tpu.vector_store %arg8[%swap3A_32], %scan3A_19#6 {strides = array<i32>} : memref<512xf32, #tpu.memory_space<vmem>>, vector<16xf32>,
    %swap3A_34 = arith.constant 112 : index
    %swap3A_35 = tpu.vector_load %arg8[%swap3A_34] {strides = array<i32>} : memref<512xf32, #tpu.memory_space<vmem>>, vector<16xf32>,
    tpu.vector_store %arg8[%swap3A_34], %scan3A_19#7 {strides = array<i32>} : memref<512xf32, #tpu.memory_space<vmem>>, vector<16xf32>,
    %add3A_36 = arith.constant 256 : i32
    %add3A_37 = arith.addi %mul3A_2, %add3A_36 : i32
    %dma_start3A_38 = arith.constant 0 : i32
    %dma_start3A_39 = tpu.memref_slice %arg2[%dma_start3A_38, %add3A_37] : memref<200x16384xi32, #tpu.memory_space<hbm>> -> memref<200x128xi32, #tpu.memory_space<hbm>>
    %dma_start3A_40 = arith.constant 0 : i32
    %dma_start3A_41 = tpu.memref_slice %arg2[%dma_start3A_40, %add3A_37] : memref<200x16384xi32, #tpu.memory_space<hbm>> -> memref<200x128xi32, #tpu.memory_space<hbm>>
    tpu.enqueue_dma source(%dma_start3A_41 : memref<200x128xi32, #tpu.memory_space<hbm>>) target(%arg6 : memref<200x128xi32, #tpu.memory_space<vmem>>) target_semaphore(%arg9 : memref<!tpu.dma_semaphore, #tpu.memory_space<semaphore_mem>>)
    %dma_wait3A_42 = arith.constant 0 : i32
    %dma_wait3A_43 = tpu.memref_slice %arg2[%dma_wait3A_42, %add3A_7] : memref<200x16384xi32, #tpu.memory_space<hbm>> -> memref<200x128xi32, #tpu.memory_space<hbm>>
    %dma_wait3A_44 = arith.constant 0 : i32
    %dma_wait3A_45 = tpu.memref_slice %arg2[%dma_wait3A_44, %add3A_7] : memref<200x16384xi32, #tpu.memory_space<hbm>> -> memref<200x128xi32, #tpu.memory_space<hbm>>
    tpu.wait_dma2 semaphore(%arg10 : memref<!tpu.dma_semaphore, #tpu.memory_space<semaphore_mem>>) src(%dma_wait3A_45 : memref<200x128xi32, #tpu.memory_space<hbm>>) dst(%arg7 : memref<200x128xi32, #tpu.memory_space<vmem>>)
    %broadcast_in_dim3A_46 = arith.constant 0.000000e+00 : f32
    %broadcast_in_dim3A_47 = vector.broadcast %broadcast_in_dim3A_46 : f32 to vector<16xf32>
    %scan3A_48 = arith.constant 0 : i32
    %scan3A_49 = arith.constant 100 : i32
    %scan3A_50 = arith.addi %scan3A_48, %scan3A_49 : i32
    %scan3A_51 = arith.constant 2 : i32
    %scan3A_52:8 = scf.for %scan3A_132 = %scan3A_48 to %scan3A_50 step %scan3A_51 iter_args(%scan3A_133 = %broadcast_in_dim3A_47, %scan3A_134 = %broadcast_in_dim3A_47, %scan3A_135 = %broadcast_in_dim3A_47, %scan3A_136 = %broadcast_in_dim3A_47, %scan3A_137 = %broadcast_in_dim3A_47, %scan3A_138 = %broadcast_in_dim3A_47, %scan3A_139 = %broadcast_in_dim3A_47, %scan3A_140 = %broadcast_in_dim3A_47) -> (vector<16xf32>, vector<16xf32>, vector<16xf32>, vector<16xf32>, vector<16xf32>, vector<16xf32>, vector<16xf32>, vector<16xf32>)  : i32 {
      %mul3A_141 = arith.constant 1 : i32
      %mul3A_142 = arith.muli %scan3A_132, %mul3A_141 : i32
      %add3A_143 = arith.constant 0 : i32
      %add3A_144 = arith.addi %add3A_143, %mul3A_142 : i32
      %mul3A_145 = arith.constant 2 : i32
      %mul3A_146 = arith.muli %add3A_144, %mul3A_145 : i32
      %get3A = arith.index_cast %mul3A_146 : i32 to index
      %get3A_147 = arith.constant 0 : index
      %get3A_148 = tpu.vector_load %arg7[%get3A, %get3A_147] {strides = array<i32>} : memref<200x128xi32, #tpu.memory_space<vmem>>, vector<16xi32>,
      %add3A_149 = arith.constant 1 : i32
      %add3A_150 = arith.addi %mul3A_146, %add3A_149 : i32
      %get3A_151 = arith.index_cast %add3A_150 : i32 to index
      %get3A_152 = arith.constant 0 : index
      %get3A_153 = tpu.vector_load %arg7[%get3A_151, %get3A_152] {strides = array<i32>} : memref<200x128xi32, #tpu.memory_space<vmem>>, vector<16xi32>,
      %shift_left3A = arith.constant 7 : i32
      %shift_left3A_154 = vector.broadcast %shift_left3A : i32 to vector<16xi32>
      %shift_left3A_155 = arith.shli %get3A_153, %shift_left3A_154 : vector<16xi32>
      %add3A_156 = arith.addi %get3A_148, %shift_left3A_155 : vector<16xi32>
      %gather3A = tpu.vector_load_idx %arg5[%add3A_156] : memref<16384xf32, #tpu.memory_space<vmem>>[vector<16xi32>], vector<16xf32>,
      %add3A_157 = arith.addf %scan3A_133, %gather3A : vector<16xf32>
      %get3A_158 = arith.index_cast %mul3A_146 : i32 to index
      %get3A_159 = arith.constant 16 : index
      %get3A_160 = tpu.vector_load %arg7[%get3A_158, %get3A_159] {strides = array<i32>} : memref<200x128xi32, #tpu.memory_space<vmem>>, vector<16xi32>,
      %add3A_161 = arith.constant 1 : i32
      %add3A_162 = arith.addi %mul3A_146, %add3A_161 : i32
      %get3A_163 = arith.index_cast %add3A_162 : i32 to index
      %get3A_164 = arith.constant 16 : index
      %get3A_165 = tpu.vector_load %arg7[%get3A_163, %get3A_164] {strides = array<i32>} : memref<200x128xi32, #tpu.memory_space<vmem>>, vector<16xi32>,
      %shift_left3A_166 = arith.constant 7 : i32
      %shift_left3A_167 = vector.broadcast %shift_left3A_166 : i32 to vector<16xi32>
      %shift_left3A_168 = arith.shli %get3A_165, %shift_left3A_167 : vector<16xi32>
      %add3A_169 = arith.addi %get3A_160, %shift_left3A_168 : vector<16xi32>
      %gather3A_170 = tpu.vector_load_idx %arg5[%add3A_169] : memref<16384xf32, #tpu.memory_space<vmem>>[vector<16xi32>], vector<16xf32>,
      %add3A_171 = arith.addf %scan3A_134, %gather3A_170 : vector<16xf32>
      %get3A_172 = arith.index_cast %mul3A_146 : i32 to index
      %get3A_173 = arith.constant 32 : index
      %get3A_174 = tpu.vector_load %arg7[%get3A_172, %get3A_173] {strides = array<i32>} : memref<200x128xi32, #tpu.memory_space<vmem>>, vector<16xi32>,
      %add3A_175 = arith.constant 1 : i32
      %add3A_176 = arith.addi %mul3A_146, %add3A_175 : i32
      %get3A_177 = arith.index_cast %add3A_176 : i32 to index
      %get3A_178 = arith.constant 32 : index
      %get3A_179 = tpu.vector_load %arg7[%get3A_177, %get3A_178] {strides = array<i32>} : memref<200x128xi32, #tpu.memory_space<vmem>>, vector<16xi32>,
      %shift_left3A_180 = arith.constant 7 : i32
      %shift_left3A_181 = vector.broadcast %shift_left3A_180 : i32 to vector<16xi32>
      %shift_left3A_182 = arith.shli %get3A_179, %shift_left3A_181 : vector<16xi32>
      %add3A_183 = arith.addi %get3A_174, %shift_left3A_182 : vector<16xi32>
      %gather3A_184 = tpu.vector_load_idx %arg5[%add3A_183] : memref<16384xf32, #tpu.memory_space<vmem>>[vector<16xi32>], vector<16xf32>,
      %add3A_185 = arith.addf %scan3A_135, %gather3A_184 : vector<16xf32>
      %get3A_186 = arith.index_cast %mul3A_146 : i32 to index
      %get3A_187 = arith.constant 48 : index
      %get3A_188 = tpu.vector_load %arg7[%get3A_186, %get3A_187] {strides = array<i32>} : memref<200x128xi32, #tpu.memory_space<vmem>>, vector<16xi32>,
      %add3A_189 = arith.constant 1 : i32
      %add3A_190 = arith.addi %mul3A_146, %add3A_189 : i32
      %get3A_191 = arith.index_cast %add3A_190 : i32 to index
      %get3A_192 = arith.constant 48 : index
      %get3A_193 = tpu.vector_load %arg7[%get3A_191, %get3A_192] {strides = array<i32>} : memref<200x128xi32, #tpu.memory_space<vmem>>, vector<16xi32>,
      %shift_left3A_194 = arith.constant 7 : i32
      %shift_left3A_195 = vector.broadcast %shift_left3A_194 : i32 to vector<16xi32>
      %shift_left3A_196 = arith.shli %get3A_193, %shift_left3A_195 : vector<16xi32>
      %add3A_197 = arith.addi %get3A_188, %shift_left3A_196 : vector<16xi32>
      %gather3A_198 = tpu.vector_load_idx %arg5[%add3A_197] : memref<16384xf32, #tpu.memory_space<vmem>>[vector<16xi32>], vector<16xf32>,
      %add3A_199 = arith.addf %scan3A_136, %gather3A_198 : vector<16xf32>
      %get3A_200 = arith.index_cast %mul3A_146 : i32 to index
      %get3A_201 = arith.constant 64 : index
      %get3A_202 = tpu.vector_load %arg7[%get3A_200, %get3A_201] {strides = array<i32>} : memref<200x128xi32, #tpu.memory_space<vmem>>, vector<16xi32>,
      %add3A_203 = arith.constant 1 : i32
      %add3A_204 = arith.addi %mul3A_146, %add3A_203 : i32
      %get3A_205 = arith.index_cast %add3A_204 : i32 to index
      %get3A_206 = arith.constant 64 : index
      %get3A_207 = tpu.vector_load %arg7[%get3A_205, %get3A_206] {strides = array<i32>} : memref<200x128xi32, #tpu.memory_space<vmem>>, vector<16xi32>,
      %shift_left3A_208 = arith.constant 7 : i32
      %shift_left3A_209 = vector.broadcast %shift_left3A_208 : i32 to vector<16xi32>
      %shift_left3A_210 = arith.shli %get3A_207, %shift_left3A_209 : vector<16xi32>
      %add3A_211 = arith.addi %get3A_202, %shift_left3A_210 : vector<16xi32>
      %gather3A_212 = tpu.vector_load_idx %arg5[%add3A_211] : memref<16384xf32, #tpu.memory_space<vmem>>[vector<16xi32>], vector<16xf32>,
      %add3A_213 = arith.addf %scan3A_137, %gather3A_212 : vector<16xf32>
      %get3A_214 = arith.index_cast %mul3A_146 : i32 to index
      %get3A_215 = arith.constant 80 : index
      %get3A_216 = tpu.vector_load %arg7[%get3A_214, %get3A_215] {strides = array<i32>} : memref<200x128xi32, #tpu.memory_space<vmem>>, vector<16xi32>,
      %add3A_217 = arith.constant 1 : i32
      %add3A_218 = arith.addi %mul3A_146, %add3A_217 : i32
      %get3A_219 = arith.index_cast %add3A_218 : i32 to index
      %get3A_220 = arith.constant 80 : index
      %get3A_221 = tpu.vector_load %arg7[%get3A_219, %get3A_220] {strides = array<i32>} : memref<200x128xi32, #tpu.memory_space<vmem>>, vector<16xi32>,
      %shift_left3A_222 = arith.constant 7 : i32
      %shift_left3A_223 = vector.broadcast %shift_left3A_222 : i32 to vector<16xi32>
      %shift_left3A_224 = arith.shli %get3A_221, %shift_left3A_223 : vector<16xi32>
      %add3A_225 = arith.addi %get3A_216, %shift_left3A_224 : vector<16xi32>
      %gather3A_226 = tpu.vector_load_idx %arg5[%add3A_225] : memref<16384xf32, #tpu.memory_space<vmem>>[vector<16xi32>], vector<16xf32>,
      %add3A_227 = arith.addf %scan3A_138, %gather3A_226 : vector<16xf32>
      %get3A_228 = arith.index_cast %mul3A_146 : i32 to index
      %get3A_229 = arith.constant 96 : index
      %get3A_230 = tpu.vector_load %arg7[%get3A_228, %get3A_229] {strides = array<i32>} : memref<200x128xi32, #tpu.memory_space<vmem>>, vector<16xi32>,
      %add3A_231 = arith.constant 1 : i32
      %add3A_232 = arith.addi %mul3A_146, %add3A_231 : i32
      %get3A_233 = arith.index_cast %add3A_232 : i32 to index
      %get3A_234 = arith.constant 96 : index
      %get3A_235 = tpu.vector_load %arg7[%get3A_233, %get3A_234] {strides = array<i32>} : memref<200x128xi32, #tpu.memory_space<vmem>>, vector<16xi32>,
      %shift_left3A_236 = arith.constant 7 : i32
      %shift_left3A_237 = vector.broadcast %shift_left3A_236 : i32 to vector<16xi32>
      %shift_left3A_238 = arith.shli %get3A_235, %shift_left3A_237 : vector<16xi32>
      %add3A_239 = arith.addi %get3A_230, %shift_left3A_238 : vector<16xi32>
      %gather3A_240 = tpu.vector_load_idx %arg5[%add3A_239] : memref<16384xf32, #tpu.memory_space<vmem>>[vector<16xi32>], vector<16xf32>,
      %add3A_241 = arith.addf %scan3A_139, %gather3A_240 : vector<16xf32>
      %get3A_242 = arith.index_cast %mul3A_146 : i32 to index
      %get3A_243 = arith.constant 112 : index
      %get3A_244 = tpu.vector_load %arg7[%get3A_242, %get3A_243] {strides = array<i32>} : memref<200x128xi32, #tpu.memory_space<vmem>>, vector<16xi32>,
      %add3A_245 = arith.constant 1 : i32
      %add3A_246 = arith.addi %mul3A_146, %add3A_245 : i32
      %get3A_247 = arith.index_cast %add3A_246 : i32 to index
      %get3A_248 = arith.constant 112 : index
      %get3A_249 = tpu.vector_load %arg7[%get3A_247, %get3A_248] {strides = array<i32>} : memref<200x128xi32, #tpu.memory_space<vmem>>, vector<16xi32>,
      %shift_left3A_250 = arith.constant 7 : i32
      %shift_left3A_251 = vector.broadcast %shift_left3A_250 : i32 to vector<16xi32>
      %shift_left3A_252 = arith.shli %get3A_249, %shift_left3A_251 : vector<16xi32>
      %add3A_253 = arith.addi %get3A_244, %shift_left3A_252 : vector<16xi32>
      %gather3A_254 = tpu.vector_load_idx %arg5[%add3A_253] : memref<16384xf32, #tpu.memory_space<vmem>>[vector<16xi32>], vector<16xf32>,
      %add3A_255 = arith.addf %scan3A_140, %gather3A_254 : vector<16xf32>
      %scan3A_256 = arith.constant 1 : i32
      %scan3A_257 = arith.addi %scan3A_132, %scan3A_256 : i32
      %mul3A_258 = arith.constant 1 : i32
      %mul3A_259 = arith.muli %scan3A_257, %mul3A_258 : i32
      %add3A_260 = arith.constant 0 : i32
      %add3A_261 = arith.addi %add3A_260, %mul3A_259 : i32
      %mul3A_262 = arith.constant 2 : i32
      %mul3A_263 = arith.muli %add3A_261, %mul3A_262 : i32
      %get3A_264 = arith.index_cast %mul3A_263 : i32 to index
      %get3A_265 = arith.constant 0 : index
      %get3A_266 = tpu.vector_load %arg7[%get3A_264, %get3A_265] {strides = array<i32>} : memref<200x128xi32, #tpu.memory_space<vmem>>, vector<16xi32>,
      %add3A_267 = arith.constant 1 : i32
      %add3A_268 = arith.addi %mul3A_263, %add3A_267 : i32
      %get3A_269 = arith.index_cast %add3A_268 : i32 to index
      %get3A_270 = arith.constant 0 : index
      %get3A_271 = tpu.vector_load %arg7[%get3A_269, %get3A_270] {strides = array<i32>} : memref<200x128xi32, #tpu.memory_space<vmem>>, vector<16xi32>,
      %shift_left3A_272 = arith.constant 7 : i32
      %shift_left3A_273 = vector.broadcast %shift_left3A_272 : i32 to vector<16xi32>
      %shift_left3A_274 = arith.shli %get3A_271, %shift_left3A_273 : vector<16xi32>
      %add3A_275 = arith.addi %get3A_266, %shift_left3A_274 : vector<16xi32>
      %gather3A_276 = tpu.vector_load_idx %arg5[%add3A_275] : memref<16384xf32, #tpu.memory_space<vmem>>[vector<16xi32>], vector<16xf32>,
      %add3A_277 = arith.addf %add3A_157, %gather3A_276 : vector<16xf32>
      %get3A_278 = arith.index_cast %mul3A_263 : i32 to index
      %get3A_279 = arith.constant 16 : index
      %get3A_280 = tpu.vector_load %arg7[%get3A_278, %get3A_279] {strides = array<i32>} : memref<200x128xi32, #tpu.memory_space<vmem>>, vector<16xi32>,
      %add3A_281 = arith.constant 1 : i32
      %add3A_282 = arith.addi %mul3A_263, %add3A_281 : i32
      %get3A_283 = arith.index_cast %add3A_282 : i32 to index
      %get3A_284 = arith.constant 16 : index
      %get3A_285 = tpu.vector_load %arg7[%get3A_283, %get3A_284] {strides = array<i32>} : memref<200x128xi32, #tpu.memory_space<vmem>>, vector<16xi32>,
      %shift_left3A_286 = arith.constant 7 : i32
      %shift_left3A_287 = vector.broadcast %shift_left3A_286 : i32 to vector<16xi32>
      %shift_left3A_288 = arith.shli %get3A_285, %shift_left3A_287 : vector<16xi32>
      %add3A_289 = arith.addi %get3A_280, %shift_left3A_288 : vector<16xi32>
      %gather3A_290 = tpu.vector_load_idx %arg5[%add3A_289] : memref<16384xf32, #tpu.memory_space<vmem>>[vector<16xi32>], vector<16xf32>,
      %add3A_291 = arith.addf %add3A_171, %gather3A_290 : vector<16xf32>
      %get3A_292 = arith.index_cast %mul3A_263 : i32 to index
      %get3A_293 = arith.constant 32 : index
      %get3A_294 = tpu.vector_load %arg7[%get3A_292, %get3A_293] {strides = array<i32>} : memref<200x128xi32, #tpu.memory_space<vmem>>, vector<16xi32>,
      %add3A_295 = arith.constant 1 : i32
      %add3A_296 = arith.addi %mul3A_263, %add3A_295 : i32
      %get3A_297 = arith.index_cast %add3A_296 : i32 to index
      %get3A_298 = arith.constant 32 : index
      %get3A_299 = tpu.vector_load %arg7[%get3A_297, %get3A_298] {strides = array<i32>} : memref<200x128xi32, #tpu.memory_space<vmem>>, vector<16xi32>,
      %shift_left3A_300 = arith.constant 7 : i32
      %shift_left3A_301 = vector.broadcast %shift_left3A_300 : i32 to vector<16xi32>
      %shift_left3A_302 = arith.shli %get3A_299, %shift_left3A_301 : vector<16xi32>
      %add3A_303 = arith.addi %get3A_294, %shift_left3A_302 : vector<16xi32>
      %gather3A_304 = tpu.vector_load_idx %arg5[%add3A_303] : memref<16384xf32, #tpu.memory_space<vmem>>[vector<16xi32>], vector<16xf32>,
      %add3A_305 = arith.addf %add3A_185, %gather3A_304 : vector<16xf32>
      %get3A_306 = arith.index_cast %mul3A_263 : i32 to index
      %get3A_307 = arith.constant 48 : index
      %get3A_308 = tpu.vector_load %arg7[%get3A_306, %get3A_307] {strides = array<i32>} : memref<200x128xi32, #tpu.memory_space<vmem>>, vector<16xi32>,
      %add3A_309 = arith.constant 1 : i32
      %add3A_310 = arith.addi %mul3A_263, %add3A_309 : i32
      %get3A_311 = arith.index_cast %add3A_310 : i32 to index
      %get3A_312 = arith.constant 48 : index
      %get3A_313 = tpu.vector_load %arg7[%get3A_311, %get3A_312] {strides = array<i32>} : memref<200x128xi32, #tpu.memory_space<vmem>>, vector<16xi32>,
      %shift_left3A_314 = arith.constant 7 : i32
      %shift_left3A_315 = vector.broadcast %shift_left3A_314 : i32 to vector<16xi32>
      %shift_left3A_316 = arith.shli %get3A_313, %shift_left3A_315 : vector<16xi32>
      %add3A_317 = arith.addi %get3A_308, %shift_left3A_316 : vector<16xi32>
      %gather3A_318 = tpu.vector_load_idx %arg5[%add3A_317] : memref<16384xf32, #tpu.memory_space<vmem>>[vector<16xi32>], vector<16xf32>,
      %add3A_319 = arith.addf %add3A_199, %gather3A_318 : vector<16xf32>
      %get3A_320 = arith.index_cast %mul3A_263 : i32 to index
      %get3A_321 = arith.constant 64 : index
      %get3A_322 = tpu.vector_load %arg7[%get3A_320, %get3A_321] {strides = array<i32>} : memref<200x128xi32, #tpu.memory_space<vmem>>, vector<16xi32>,
      %add3A_323 = arith.constant 1 : i32
      %add3A_324 = arith.addi %mul3A_263, %add3A_323 : i32
      %get3A_325 = arith.index_cast %add3A_324 : i32 to index
      %get3A_326 = arith.constant 64 : index
      %get3A_327 = tpu.vector_load %arg7[%get3A_325, %get3A_326] {strides = array<i32>} : memref<200x128xi32, #tpu.memory_space<vmem>>, vector<16xi32>,
      %shift_left3A_328 = arith.constant 7 : i32
      %shift_left3A_329 = vector.broadcast %shift_left3A_328 : i32 to vector<16xi32>
      %shift_left3A_330 = arith.shli %get3A_327, %shift_left3A_329 : vector<16xi32>
      %add3A_331 = arith.addi %get3A_322, %shift_left3A_330 : vector<16xi32>
      %gather3A_332 = tpu.vector_load_idx %arg5[%add3A_331] : memref<16384xf32, #tpu.memory_space<vmem>>[vector<16xi32>], vector<16xf32>,
      %add3A_333 = arith.addf %add3A_213, %gather3A_332 : vector<16xf32>
      %get3A_334 = arith.index_cast %mul3A_263 : i32 to index
      %get3A_335 = arith.constant 80 : index
      %get3A_336 = tpu.vector_load %arg7[%get3A_334, %get3A_335] {strides = array<i32>} : memref<200x128xi32, #tpu.memory_space<vmem>>, vector<16xi32>,
      %add3A_337 = arith.constant 1 : i32
      %add3A_338 = arith.addi %mul3A_263, %add3A_337 : i32
      %get3A_339 = arith.index_cast %add3A_338 : i32 to index
      %get3A_340 = arith.constant 80 : index
      %get3A_341 = tpu.vector_load %arg7[%get3A_339, %get3A_340] {strides = array<i32>} : memref<200x128xi32, #tpu.memory_space<vmem>>, vector<16xi32>,
      %shift_left3A_342 = arith.constant 7 : i32
      %shift_left3A_343 = vector.broadcast %shift_left3A_342 : i32 to vector<16xi32>
      %shift_left3A_344 = arith.shli %get3A_341, %shift_left3A_343 : vector<16xi32>
      %add3A_345 = arith.addi %get3A_336, %shift_left3A_344 : vector<16xi32>
      %gather3A_346 = tpu.vector_load_idx %arg5[%add3A_345] : memref<16384xf32, #tpu.memory_space<vmem>>[vector<16xi32>], vector<16xf32>,
      %add3A_347 = arith.addf %add3A_227, %gather3A_346 : vector<16xf32>
      %get3A_348 = arith.index_cast %mul3A_263 : i32 to index
      %get3A_349 = arith.constant 96 : index
      %get3A_350 = tpu.vector_load %arg7[%get3A_348, %get3A_349] {strides = array<i32>} : memref<200x128xi32, #tpu.memory_space<vmem>>, vector<16xi32>,
      %add3A_351 = arith.constant 1 : i32
      %add3A_352 = arith.addi %mul3A_263, %add3A_351 : i32
      %get3A_353 = arith.index_cast %add3A_352 : i32 to index
      %get3A_354 = arith.constant 96 : index
      %get3A_355 = tpu.vector_load %arg7[%get3A_353, %get3A_354] {strides = array<i32>} : memref<200x128xi32, #tpu.memory_space<vmem>>, vector<16xi32>,
      %shift_left3A_356 = arith.constant 7 : i32
      %shift_left3A_357 = vector.broadcast %shift_left3A_356 : i32 to vector<16xi32>
      %shift_left3A_358 = arith.shli %get3A_355, %shift_left3A_357 : vector<16xi32>
      %add3A_359 = arith.addi %get3A_350, %shift_left3A_358 : vector<16xi32>
      %gather3A_360 = tpu.vector_load_idx %arg5[%add3A_359] : memref<16384xf32, #tpu.memory_space<vmem>>[vector<16xi32>], vector<16xf32>,
      %add3A_361 = arith.addf %add3A_241, %gather3A_360 : vector<16xf32>
      %get3A_362 = arith.index_cast %mul3A_263 : i32 to index
      %get3A_363 = arith.constant 112 : index
      %get3A_364 = tpu.vector_load %arg7[%get3A_362, %get3A_363] {strides = array<i32>} : memref<200x128xi32, #tpu.memory_space<vmem>>, vector<16xi32>,
      %add3A_365 = arith.constant 1 : i32
      %add3A_366 = arith.addi %mul3A_263, %add3A_365 : i32
      %get3A_367 = arith.index_cast %add3A_366 : i32 to index
      %get3A_368 = arith.constant 112 : index
      %get3A_369 = tpu.vector_load %arg7[%get3A_367, %get3A_368] {strides = array<i32>} : memref<200x128xi32, #tpu.memory_space<vmem>>, vector<16xi32>,
      %shift_left3A_370 = arith.constant 7 : i32
      %shift_left3A_371 = vector.broadcast %shift_left3A_370 : i32 to vector<16xi32>
      %shift_left3A_372 = arith.shli %get3A_369, %shift_left3A_371 : vector<16xi32>
      %add3A_373 = arith.addi %get3A_364, %shift_left3A_372 : vector<16xi32>
      %gather3A_374 = tpu.vector_load_idx %arg5[%add3A_373] : memref<16384xf32, #tpu.memory_space<vmem>>[vector<16xi32>], vector<16xf32>,
      %add3A_375 = arith.addf %add3A_255, %gather3A_374 : vector<16xf32>
      scf.yield %add3A_277, %add3A_291, %add3A_305, %add3A_319, %add3A_333, %add3A_347, %add3A_361, %add3A_375 : vector<16xf32>, vector<16xf32>, vector<16xf32>, vector<16xf32>, vector<16xf32>, vector<16xf32>, vector<16xf32>, vector<16xf32>
    }
    %scan3A_53 = arith.constant 100 : i32
    %swap3A_54 = arith.constant 128 : index
    %swap3A_55 = tpu.vector_load %arg8[%swap3A_54] {strides = array<i32>} : memref<512xf32, #tpu.memory_space<vmem>>, vector<16xf32>,
    tpu.vector_store %arg8[%swap3A_54], %scan3A_52#0 {strides = array<i32>} : memref<512xf32, #tpu.memory_space<vmem>>, vector<16xf32>,
    %swap3A_56 = arith.constant 144 : index
    %swap3A_57 = tpu.vector_load %arg8[%swap3A_56] {strides = array<i32>} : memref<512xf32, #tpu.memory_space<vmem>>, vector<16xf32>,
    tpu.vector_store %arg8[%swap3A_56], %scan3A_52#1 {strides = array<i32>} : memref<512xf32, #tpu.memory_space<vmem>>, vector<16xf32>,
    %swap3A_58 = arith.constant 160 : index
    %swap3A_59 = tpu.vector_load %arg8[%swap3A_58] {strides = array<i32>} : memref<512xf32, #tpu.memory_space<vmem>>, vector<16xf32>,
    tpu.vector_store %arg8[%swap3A_58], %scan3A_52#2 {strides = array<i32>} : memref<512xf32, #tpu.memory_space<vmem>>, vector<16xf32>,
    %swap3A_60 = arith.constant 176 : index
    %swap3A_61 = tpu.vector_load %arg8[%swap3A_60] {strides = array<i32>} : memref<512xf32, #tpu.memory_space<vmem>>, vector<16xf32>,
    tpu.vector_store %arg8[%swap3A_60], %scan3A_52#3 {strides = array<i32>} : memref<512xf32, #tpu.memory_space<vmem>>, vector<16xf32>,
    %swap3A_62 = arith.constant 192 : index
    %swap3A_63 = tpu.vector_load %arg8[%swap3A_62] {strides = array<i32>} : memref<512xf32, #tpu.memory_space<vmem>>, vector<16xf32>,
    tpu.vector_store %arg8[%swap3A_62], %scan3A_52#4 {strides = array<i32>} : memref<512xf32, #tpu.memory_space<vmem>>, vector<16xf32>,
    %swap3A_64 = arith.constant 208 : index
    %swap3A_65 = tpu.vector_load %arg8[%swap3A_64] {strides = array<i32>} : memref<512xf32, #tpu.memory_space<vmem>>, vector<16xf32>,
    tpu.vector_store %arg8[%swap3A_64], %scan3A_52#5 {strides = array<i32>} : memref<512xf32, #tpu.memory_space<vmem>>, vector<16xf32>,
    %swap3A_66 = arith.constant 224 : index
    %swap3A_67 = tpu.vector_load %arg8[%swap3A_66] {strides = array<i32>} : memref<512xf32, #tpu.memory_space<vmem>>, vector<16xf32>,
    tpu.vector_store %arg8[%swap3A_66], %scan3A_52#6 {strides = array<i32>} : memref<512xf32, #tpu.memory_space<vmem>>, vector<16xf32>,
    %swap3A_68 = arith.constant 240 : index
    %swap3A_69 = tpu.vector_load %arg8[%swap3A_68] {strides = array<i32>} : memref<512xf32, #tpu.memory_space<vmem>>, vector<16xf32>,
    tpu.vector_store %arg8[%swap3A_68], %scan3A_52#7 {strides = array<i32>} : memref<512xf32, #tpu.memory_space<vmem>>, vector<16xf32>,
    %add3A_70 = arith.constant 384 : i32
    %add3A_71 = arith.addi %mul3A_2, %add3A_70 : i32
    %dma_start3A_72 = arith.constant 0 : i32
    %dma_start3A_73 = tpu.memref_slice %arg2[%dma_start3A_72, %add3A_71] : memref<200x16384xi32, #tpu.memory_space<hbm>> -> memref<200x128xi32, #tpu.memory_space<hbm>>
    %dma_start3A_74 = arith.constant 0 : i32
    %dma_start3A_75 = tpu.memref_slice %arg2[%dma_start3A_74, %add3A_71] : memref<200x16384xi32, #tpu.memory_space<hbm>> -> memref<200x128xi32, #tpu.memory_space<hbm>>
    tpu.enqueue_dma source(%dma_start3A_75 : memref<200x128xi32, #tpu.memory_space<hbm>>) target(%arg7 : memref<200x128xi32, #tpu.memory_space<vmem>>) target_semaphore(%arg10 : memref<!tpu.dma_semaphore, #tpu.memory_space<semaphore_mem>>)
    %dma_wait3A_76 = arith.constant 0 : i32
    %dma_wait3A_77 = tpu.memref_slice %arg2[%dma_wait3A_76, %add3A_37] : memref<200x16384xi32, #tpu.memory_space<hbm>> -> memref<200x128xi32, #tpu.memory_space<hbm>>
    %dma_wait3A_78 = arith.constant 0 : i32
    %dma_wait3A_79 = tpu.memref_slice %arg2[%dma_wait3A_78, %add3A_37] : memref<200x16384xi32, #tpu.memory_space<hbm>> -> memref<200x128xi32, #tpu.memory_space<hbm>>
    tpu.wait_dma2 semaphore(%arg9 : memref<!tpu.dma_semaphore, #tpu.memory_space<semaphore_mem>>) src(%dma_wait3A_79 : memref<200x128xi32, #tpu.memory_space<hbm>>) dst(%arg6 : memref<200x128xi32, #tpu.memory_space<vmem>>)
    %broadcast_in_dim3A_80 = arith.constant 0.000000e+00 : f32
    %broadcast_in_dim3A_81 = vector.broadcast %broadcast_in_dim3A_80 : f32 to vector<16xf32>
    %scan3A_82 = arith.constant 0 : i32
    %scan3A_83 = arith.constant 100 : i32
    %scan3A_84 = arith.addi %scan3A_82, %scan3A_83 : i32
    %scan3A_85 = arith.constant 2 : i32
    %scan3A_86:8 = scf.for %scan3A_132 = %scan3A_82 to %scan3A_84 step %scan3A_85 iter_args(%scan3A_133 = %broadcast_in_dim3A_81, %scan3A_134 = %broadcast_in_dim3A_81, %scan3A_135 = %broadcast_in_dim3A_81, %scan3A_136 = %broadcast_in_dim3A_81, %scan3A_137 = %broadcast_in_dim3A_81, %scan3A_138 = %broadcast_in_dim3A_81, %scan3A_139 = %broadcast_in_dim3A_81, %scan3A_140 = %broadcast_in_dim3A_81) -> (vector<16xf32>, vector<16xf32>, vector<16xf32>, vector<16xf32>, vector<16xf32>, vector<16xf32>, vector<16xf32>, vector<16xf32>)  : i32 {
      %mul3A_141 = arith.constant 1 : i32
      %mul3A_142 = arith.muli %scan3A_132, %mul3A_141 : i32
      %add3A_143 = arith.constant 0 : i32
      %add3A_144 = arith.addi %add3A_143, %mul3A_142 : i32
      %mul3A_145 = arith.constant 2 : i32
      %mul3A_146 = arith.muli %add3A_144, %mul3A_145 : i32
      %get3A = arith.index_cast %mul3A_146 : i32 to index
      %get3A_147 = arith.constant 0 : index
      %get3A_148 = tpu.vector_load %arg6[%get3A, %get3A_147] {strides = array<i32>} : memref<200x128xi32, #tpu.memory_space<vmem>>, vector<16xi32>,
      %add3A_149 = arith.constant 1 : i32
      %add3A_150 = arith.addi %mul3A_146, %add3A_149 : i32
      %get3A_151 = arith.index_cast %add3A_150 : i32 to index
      %get3A_152 = arith.constant 0 : index
      %get3A_153 = tpu.vector_load %arg6[%get3A_151, %get3A_152] {strides = array<i32>} : memref<200x128xi32, #tpu.memory_space<vmem>>, vector<16xi32>,
      %shift_left3A = arith.constant 7 : i32
      %shift_left3A_154 = vector.broadcast %shift_left3A : i32 to vector<16xi32>
      %shift_left3A_155 = arith.shli %get3A_153, %shift_left3A_154 : vector<16xi32>
      %add3A_156 = arith.addi %get3A_148, %shift_left3A_155 : vector<16xi32>
      %gather3A = tpu.vector_load_idx %arg5[%add3A_156] : memref<16384xf32, #tpu.memory_space<vmem>>[vector<16xi32>], vector<16xf32>,
      %add3A_157 = arith.addf %scan3A_133, %gather3A : vector<16xf32>
      %get3A_158 = arith.index_cast %mul3A_146 : i32 to index
      %get3A_159 = arith.constant 16 : index
      %get3A_160 = tpu.vector_load %arg6[%get3A_158, %get3A_159] {strides = array<i32>} : memref<200x128xi32, #tpu.memory_space<vmem>>, vector<16xi32>,
      %add3A_161 = arith.constant 1 : i32
      %add3A_162 = arith.addi %mul3A_146, %add3A_161 : i32
      %get3A_163 = arith.index_cast %add3A_162 : i32 to index
      %get3A_164 = arith.constant 16 : index
      %get3A_165 = tpu.vector_load %arg6[%get3A_163, %get3A_164] {strides = array<i32>} : memref<200x128xi32, #tpu.memory_space<vmem>>, vector<16xi32>,
      %shift_left3A_166 = arith.constant 7 : i32
      %shift_left3A_167 = vector.broadcast %shift_left3A_166 : i32 to vector<16xi32>
      %shift_left3A_168 = arith.shli %get3A_165, %shift_left3A_167 : vector<16xi32>
      %add3A_169 = arith.addi %get3A_160, %shift_left3A_168 : vector<16xi32>
      %gather3A_170 = tpu.vector_load_idx %arg5[%add3A_169] : memref<16384xf32, #tpu.memory_space<vmem>>[vector<16xi32>], vector<16xf32>,
      %add3A_171 = arith.addf %scan3A_134, %gather3A_170 : vector<16xf32>
      %get3A_172 = arith.index_cast %mul3A_146 : i32 to index
      %get3A_173 = arith.constant 32 : index
      %get3A_174 = tpu.vector_load %arg6[%get3A_172, %get3A_173] {strides = array<i32>} : memref<200x128xi32, #tpu.memory_space<vmem>>, vector<16xi32>,
      %add3A_175 = arith.constant 1 : i32
      %add3A_176 = arith.addi %mul3A_146, %add3A_175 : i32
      %get3A_177 = arith.index_cast %add3A_176 : i32 to index
      %get3A_178 = arith.constant 32 : index
      %get3A_179 = tpu.vector_load %arg6[%get3A_177, %get3A_178] {strides = array<i32>} : memref<200x128xi32, #tpu.memory_space<vmem>>, vector<16xi32>,
      %shift_left3A_180 = arith.constant 7 : i32
      %shift_left3A_181 = vector.broadcast %shift_left3A_180 : i32 to vector<16xi32>
      %shift_left3A_182 = arith.shli %get3A_179, %shift_left3A_181 : vector<16xi32>
      %add3A_183 = arith.addi %get3A_174, %shift_left3A_182 : vector<16xi32>
      %gather3A_184 = tpu.vector_load_idx %arg5[%add3A_183] : memref<16384xf32, #tpu.memory_space<vmem>>[vector<16xi32>], vector<16xf32>,
      %add3A_185 = arith.addf %scan3A_135, %gather3A_184 : vector<16xf32>
      %get3A_186 = arith.index_cast %mul3A_146 : i32 to index
      %get3A_187 = arith.constant 48 : index
      %get3A_188 = tpu.vector_load %arg6[%get3A_186, %get3A_187] {strides = array<i32>} : memref<200x128xi32, #tpu.memory_space<vmem>>, vector<16xi32>,
      %add3A_189 = arith.constant 1 : i32
      %add3A_190 = arith.addi %mul3A_146, %add3A_189 : i32
      %get3A_191 = arith.index_cast %add3A_190 : i32 to index
      %get3A_192 = arith.constant 48 : index
      %get3A_193 = tpu.vector_load %arg6[%get3A_191, %get3A_192] {strides = array<i32>} : memref<200x128xi32, #tpu.memory_space<vmem>>, vector<16xi32>,
      %shift_left3A_194 = arith.constant 7 : i32
      %shift_left3A_195 = vector.broadcast %shift_left3A_194 : i32 to vector<16xi32>
      %shift_left3A_196 = arith.shli %get3A_193, %shift_left3A_195 : vector<16xi32>
      %add3A_197 = arith.addi %get3A_188, %shift_left3A_196 : vector<16xi32>
      %gather3A_198 = tpu.vector_load_idx %arg5[%add3A_197] : memref<16384xf32, #tpu.memory_space<vmem>>[vector<16xi32>], vector<16xf32>,
      %add3A_199 = arith.addf %scan3A_136, %gather3A_198 : vector<16xf32>
      %get3A_200 = arith.index_cast %mul3A_146 : i32 to index
      %get3A_201 = arith.constant 64 : index
      %get3A_202 = tpu.vector_load %arg6[%get3A_200, %get3A_201] {strides = array<i32>} : memref<200x128xi32, #tpu.memory_space<vmem>>, vector<16xi32>,
      %add3A_203 = arith.constant 1 : i32
      %add3A_204 = arith.addi %mul3A_146, %add3A_203 : i32
      %get3A_205 = arith.index_cast %add3A_204 : i32 to index
      %get3A_206 = arith.constant 64 : index
      %get3A_207 = tpu.vector_load %arg6[%get3A_205, %get3A_206] {strides = array<i32>} : memref<200x128xi32, #tpu.memory_space<vmem>>, vector<16xi32>,
      %shift_left3A_208 = arith.constant 7 : i32
      %shift_left3A_209 = vector.broadcast %shift_left3A_208 : i32 to vector<16xi32>
      %shift_left3A_210 = arith.shli %get3A_207, %shift_left3A_209 : vector<16xi32>
      %add3A_211 = arith.addi %get3A_202, %shift_left3A_210 : vector<16xi32>
      %gather3A_212 = tpu.vector_load_idx %arg5[%add3A_211] : memref<16384xf32, #tpu.memory_space<vmem>>[vector<16xi32>], vector<16xf32>,
      %add3A_213 = arith.addf %scan3A_137, %gather3A_212 : vector<16xf32>
      %get3A_214 = arith.index_cast %mul3A_146 : i32 to index
      %get3A_215 = arith.constant 80 : index
      %get3A_216 = tpu.vector_load %arg6[%get3A_214, %get3A_215] {strides = array<i32>} : memref<200x128xi32, #tpu.memory_space<vmem>>, vector<16xi32>,
      %add3A_217 = arith.constant 1 : i32
      %add3A_218 = arith.addi %mul3A_146, %add3A_217 : i32
      %get3A_219 = arith.index_cast %add3A_218 : i32 to index
      %get3A_220 = arith.constant 80 : index
      %get3A_221 = tpu.vector_load %arg6[%get3A_219, %get3A_220] {strides = array<i32>} : memref<200x128xi32, #tpu.memory_space<vmem>>, vector<16xi32>,
      %shift_left3A_222 = arith.constant 7 : i32
      %shift_left3A_223 = vector.broadcast %shift_left3A_222 : i32 to vector<16xi32>
      %shift_left3A_224 = arith.shli %get3A_221, %shift_left3A_223 : vector<16xi32>
      %add3A_225 = arith.addi %get3A_216, %shift_left3A_224 : vector<16xi32>
      %gather3A_226 = tpu.vector_load_idx %arg5[%add3A_225] : memref<16384xf32, #tpu.memory_space<vmem>>[vector<16xi32>], vector<16xf32>,
      %add3A_227 = arith.addf %scan3A_138, %gather3A_226 : vector<16xf32>
      %get3A_228 = arith.index_cast %mul3A_146 : i32 to index
      %get3A_229 = arith.constant 96 : index
      %get3A_230 = tpu.vector_load %arg6[%get3A_228, %get3A_229] {strides = array<i32>} : memref<200x128xi32, #tpu.memory_space<vmem>>, vector<16xi32>,
      %add3A_231 = arith.constant 1 : i32
      %add3A_232 = arith.addi %mul3A_146, %add3A_231 : i32
      %get3A_233 = arith.index_cast %add3A_232 : i32 to index
      %get3A_234 = arith.constant 96 : index
      %get3A_235 = tpu.vector_load %arg6[%get3A_233, %get3A_234] {strides = array<i32>} : memref<200x128xi32, #tpu.memory_space<vmem>>, vector<16xi32>,
      %shift_left3A_236 = arith.constant 7 : i32
      %shift_left3A_237 = vector.broadcast %shift_left3A_236 : i32 to vector<16xi32>
      %shift_left3A_238 = arith.shli %get3A_235, %shift_left3A_237 : vector<16xi32>
      %add3A_239 = arith.addi %get3A_230, %shift_left3A_238 : vector<16xi32>
      %gather3A_240 = tpu.vector_load_idx %arg5[%add3A_239] : memref<16384xf32, #tpu.memory_space<vmem>>[vector<16xi32>], vector<16xf32>,
      %add3A_241 = arith.addf %scan3A_139, %gather3A_240 : vector<16xf32>
      %get3A_242 = arith.index_cast %mul3A_146 : i32 to index
      %get3A_243 = arith.constant 112 : index
      %get3A_244 = tpu.vector_load %arg6[%get3A_242, %get3A_243] {strides = array<i32>} : memref<200x128xi32, #tpu.memory_space<vmem>>, vector<16xi32>,
      %add3A_245 = arith.constant 1 : i32
      %add3A_246 = arith.addi %mul3A_146, %add3A_245 : i32
      %get3A_247 = arith.index_cast %add3A_246 : i32 to index
      %get3A_248 = arith.constant 112 : index
      %get3A_249 = tpu.vector_load %arg6[%get3A_247, %get3A_248] {strides = array<i32>} : memref<200x128xi32, #tpu.memory_space<vmem>>, vector<16xi32>,
      %shift_left3A_250 = arith.constant 7 : i32
      %shift_left3A_251 = vector.broadcast %shift_left3A_250 : i32 to vector<16xi32>
      %shift_left3A_252 = arith.shli %get3A_249, %shift_left3A_251 : vector<16xi32>
      %add3A_253 = arith.addi %get3A_244, %shift_left3A_252 : vector<16xi32>
      %gather3A_254 = tpu.vector_load_idx %arg5[%add3A_253] : memref<16384xf32, #tpu.memory_space<vmem>>[vector<16xi32>], vector<16xf32>,
      %add3A_255 = arith.addf %scan3A_140, %gather3A_254 : vector<16xf32>
      %scan3A_256 = arith.constant 1 : i32
      %scan3A_257 = arith.addi %scan3A_132, %scan3A_256 : i32
      %mul3A_258 = arith.constant 1 : i32
      %mul3A_259 = arith.muli %scan3A_257, %mul3A_258 : i32
      %add3A_260 = arith.constant 0 : i32
      %add3A_261 = arith.addi %add3A_260, %mul3A_259 : i32
      %mul3A_262 = arith.constant 2 : i32
      %mul3A_263 = arith.muli %add3A_261, %mul3A_262 : i32
      %get3A_264 = arith.index_cast %mul3A_263 : i32 to index
      %get3A_265 = arith.constant 0 : index
      %get3A_266 = tpu.vector_load %arg6[%get3A_264, %get3A_265] {strides = array<i32>} : memref<200x128xi32, #tpu.memory_space<vmem>>, vector<16xi32>,
      %add3A_267 = arith.constant 1 : i32
      %add3A_268 = arith.addi %mul3A_263, %add3A_267 : i32
      %get3A_269 = arith.index_cast %add3A_268 : i32 to index
      %get3A_270 = arith.constant 0 : index
      %get3A_271 = tpu.vector_load %arg6[%get3A_269, %get3A_270] {strides = array<i32>} : memref<200x128xi32, #tpu.memory_space<vmem>>, vector<16xi32>,
      %shift_left3A_272 = arith.constant 7 : i32
      %shift_left3A_273 = vector.broadcast %shift_left3A_272 : i32 to vector<16xi32>
      %shift_left3A_274 = arith.shli %get3A_271, %shift_left3A_273 : vector<16xi32>
      %add3A_275 = arith.addi %get3A_266, %shift_left3A_274 : vector<16xi32>
      %gather3A_276 = tpu.vector_load_idx %arg5[%add3A_275] : memref<16384xf32, #tpu.memory_space<vmem>>[vector<16xi32>], vector<16xf32>,
      %add3A_277 = arith.addf %add3A_157, %gather3A_276 : vector<16xf32>
      %get3A_278 = arith.index_cast %mul3A_263 : i32 to index
      %get3A_279 = arith.constant 16 : index
      %get3A_280 = tpu.vector_load %arg6[%get3A_278, %get3A_279] {strides = array<i32>} : memref<200x128xi32, #tpu.memory_space<vmem>>, vector<16xi32>,
      %add3A_281 = arith.constant 1 : i32
      %add3A_282 = arith.addi %mul3A_263, %add3A_281 : i32
      %get3A_283 = arith.index_cast %add3A_282 : i32 to index
      %get3A_284 = arith.constant 16 : index
      %get3A_285 = tpu.vector_load %arg6[%get3A_283, %get3A_284] {strides = array<i32>} : memref<200x128xi32, #tpu.memory_space<vmem>>, vector<16xi32>,
      %shift_left3A_286 = arith.constant 7 : i32
      %shift_left3A_287 = vector.broadcast %shift_left3A_286 : i32 to vector<16xi32>
      %shift_left3A_288 = arith.shli %get3A_285, %shift_left3A_287 : vector<16xi32>
      %add3A_289 = arith.addi %get3A_280, %shift_left3A_288 : vector<16xi32>
      %gather3A_290 = tpu.vector_load_idx %arg5[%add3A_289] : memref<16384xf32, #tpu.memory_space<vmem>>[vector<16xi32>], vector<16xf32>,
      %add3A_291 = arith.addf %add3A_171, %gather3A_290 : vector<16xf32>
      %get3A_292 = arith.index_cast %mul3A_263 : i32 to index
      %get3A_293 = arith.constant 32 : index
      %get3A_294 = tpu.vector_load %arg6[%get3A_292, %get3A_293] {strides = array<i32>} : memref<200x128xi32, #tpu.memory_space<vmem>>, vector<16xi32>,
      %add3A_295 = arith.constant 1 : i32
      %add3A_296 = arith.addi %mul3A_263, %add3A_295 : i32
      %get3A_297 = arith.index_cast %add3A_296 : i32 to index
      %get3A_298 = arith.constant 32 : index
      %get3A_299 = tpu.vector_load %arg6[%get3A_297, %get3A_298] {strides = array<i32>} : memref<200x128xi32, #tpu.memory_space<vmem>>, vector<16xi32>,
      %shift_left3A_300 = arith.constant 7 : i32
      %shift_left3A_301 = vector.broadcast %shift_left3A_300 : i32 to vector<16xi32>
      %shift_left3A_302 = arith.shli %get3A_299, %shift_left3A_301 : vector<16xi32>
      %add3A_303 = arith.addi %get3A_294, %shift_left3A_302 : vector<16xi32>
      %gather3A_304 = tpu.vector_load_idx %arg5[%add3A_303] : memref<16384xf32, #tpu.memory_space<vmem>>[vector<16xi32>], vector<16xf32>,
      %add3A_305 = arith.addf %add3A_185, %gather3A_304 : vector<16xf32>
      %get3A_306 = arith.index_cast %mul3A_263 : i32 to index
      %get3A_307 = arith.constant 48 : index
      %get3A_308 = tpu.vector_load %arg6[%get3A_306, %get3A_307] {strides = array<i32>} : memref<200x128xi32, #tpu.memory_space<vmem>>, vector<16xi32>,
      %add3A_309 = arith.constant 1 : i32
      %add3A_310 = arith.addi %mul3A_263, %add3A_309 : i32
      %get3A_311 = arith.index_cast %add3A_310 : i32 to index
      %get3A_312 = arith.constant 48 : index
      %get3A_313 = tpu.vector_load %arg6[%get3A_311, %get3A_312] {strides = array<i32>} : memref<200x128xi32, #tpu.memory_space<vmem>>, vector<16xi32>,
      %shift_left3A_314 = arith.constant 7 : i32
      %shift_left3A_315 = vector.broadcast %shift_left3A_314 : i32 to vector<16xi32>
      %shift_left3A_316 = arith.shli %get3A_313, %shift_left3A_315 : vector<16xi32>
      %add3A_317 = arith.addi %get3A_308, %shift_left3A_316 : vector<16xi32>
      %gather3A_318 = tpu.vector_load_idx %arg5[%add3A_317] : memref<16384xf32, #tpu.memory_space<vmem>>[vector<16xi32>], vector<16xf32>,
      %add3A_319 = arith.addf %add3A_199, %gather3A_318 : vector<16xf32>
      %get3A_320 = arith.index_cast %mul3A_263 : i32 to index
      %get3A_321 = arith.constant 64 : index
      %get3A_322 = tpu.vector_load %arg6[%get3A_320, %get3A_321] {strides = array<i32>} : memref<200x128xi32, #tpu.memory_space<vmem>>, vector<16xi32>,
      %add3A_323 = arith.constant 1 : i32
      %add3A_324 = arith.addi %mul3A_263, %add3A_323 : i32
      %get3A_325 = arith.index_cast %add3A_324 : i32 to index
      %get3A_326 = arith.constant 64 : index
      %get3A_327 = tpu.vector_load %arg6[%get3A_325, %get3A_326] {strides = array<i32>} : memref<200x128xi32, #tpu.memory_space<vmem>>, vector<16xi32>,
      %shift_left3A_328 = arith.constant 7 : i32
      %shift_left3A_329 = vector.broadcast %shift_left3A_328 : i32 to vector<16xi32>
      %shift_left3A_330 = arith.shli %get3A_327, %shift_left3A_329 : vector<16xi32>
      %add3A_331 = arith.addi %get3A_322, %shift_left3A_330 : vector<16xi32>
      %gather3A_332 = tpu.vector_load_idx %arg5[%add3A_331] : memref<16384xf32, #tpu.memory_space<vmem>>[vector<16xi32>], vector<16xf32>,
      %add3A_333 = arith.addf %add3A_213, %gather3A_332 : vector<16xf32>
      %get3A_334 = arith.index_cast %mul3A_263 : i32 to index
      %get3A_335 = arith.constant 80 : index
      %get3A_336 = tpu.vector_load %arg6[%get3A_334, %get3A_335] {strides = array<i32>} : memref<200x128xi32, #tpu.memory_space<vmem>>, vector<16xi32>,
      %add3A_337 = arith.constant 1 : i32
      %add3A_338 = arith.addi %mul3A_263, %add3A_337 : i32
      %get3A_339 = arith.index_cast %add3A_338 : i32 to index
      %get3A_340 = arith.constant 80 : index
      %get3A_341 = tpu.vector_load %arg6[%get3A_339, %get3A_340] {strides = array<i32>} : memref<200x128xi32, #tpu.memory_space<vmem>>, vector<16xi32>,
      %shift_left3A_342 = arith.constant 7 : i32
      %shift_left3A_343 = vector.broadcast %shift_left3A_342 : i32 to vector<16xi32>
      %shift_left3A_344 = arith.shli %get3A_341, %shift_left3A_343 : vector<16xi32>
      %add3A_345 = arith.addi %get3A_336, %shift_left3A_344 : vector<16xi32>
      %gather3A_346 = tpu.vector_load_idx %arg5[%add3A_345] : memref<16384xf32, #tpu.memory_space<vmem>>[vector<16xi32>], vector<16xf32>,
      %add3A_347 = arith.addf %add3A_227, %gather3A_346 : vector<16xf32>
      %get3A_348 = arith.index_cast %mul3A_263 : i32 to index
      %get3A_349 = arith.constant 96 : index
      %get3A_350 = tpu.vector_load %arg6[%get3A_348, %get3A_349] {strides = array<i32>} : memref<200x128xi32, #tpu.memory_space<vmem>>, vector<16xi32>,
      %add3A_351 = arith.constant 1 : i32
      %add3A_352 = arith.addi %mul3A_263, %add3A_351 : i32
      %get3A_353 = arith.index_cast %add3A_352 : i32 to index
      %get3A_354 = arith.constant 96 : index
      %get3A_355 = tpu.vector_load %arg6[%get3A_353, %get3A_354] {strides = array<i32>} : memref<200x128xi32, #tpu.memory_space<vmem>>, vector<16xi32>,
      %shift_left3A_356 = arith.constant 7 : i32
      %shift_left3A_357 = vector.broadcast %shift_left3A_356 : i32 to vector<16xi32>
      %shift_left3A_358 = arith.shli %get3A_355, %shift_left3A_357 : vector<16xi32>
      %add3A_359 = arith.addi %get3A_350, %shift_left3A_358 : vector<16xi32>
      %gather3A_360 = tpu.vector_load_idx %arg5[%add3A_359] : memref<16384xf32, #tpu.memory_space<vmem>>[vector<16xi32>], vector<16xf32>,
      %add3A_361 = arith.addf %add3A_241, %gather3A_360 : vector<16xf32>
      %get3A_362 = arith.index_cast %mul3A_263 : i32 to index
      %get3A_363 = arith.constant 112 : index
      %get3A_364 = tpu.vector_load %arg6[%get3A_362, %get3A_363] {strides = array<i32>} : memref<200x128xi32, #tpu.memory_space<vmem>>, vector<16xi32>,
      %add3A_365 = arith.constant 1 : i32
      %add3A_366 = arith.addi %mul3A_263, %add3A_365 : i32
      %get3A_367 = arith.index_cast %add3A_366 : i32 to index
      %get3A_368 = arith.constant 112 : index
      %get3A_369 = tpu.vector_load %arg6[%get3A_367, %get3A_368] {strides = array<i32>} : memref<200x128xi32, #tpu.memory_space<vmem>>, vector<16xi32>,
      %shift_left3A_370 = arith.constant 7 : i32
      %shift_left3A_371 = vector.broadcast %shift_left3A_370 : i32 to vector<16xi32>
      %shift_left3A_372 = arith.shli %get3A_369, %shift_left3A_371 : vector<16xi32>
      %add3A_373 = arith.addi %get3A_364, %shift_left3A_372 : vector<16xi32>
      %gather3A_374 = tpu.vector_load_idx %arg5[%add3A_373] : memref<16384xf32, #tpu.memory_space<vmem>>[vector<16xi32>], vector<16xf32>,
      %add3A_375 = arith.addf %add3A_255, %gather3A_374 : vector<16xf32>
      scf.yield %add3A_277, %add3A_291, %add3A_305, %add3A_319, %add3A_333, %add3A_347, %add3A_361, %add3A_375 : vector<16xf32>, vector<16xf32>, vector<16xf32>, vector<16xf32>, vector<16xf32>, vector<16xf32>, vector<16xf32>, vector<16xf32>
    }
    %scan3A_87 = arith.constant 100 : i32
    %swap3A_88 = arith.constant 256 : index
    %swap3A_89 = tpu.vector_load %arg8[%swap3A_88] {strides = array<i32>} : memref<512xf32, #tpu.memory_space<vmem>>, vector<16xf32>,
    tpu.vector_store %arg8[%swap3A_88], %scan3A_86#0 {strides = array<i32>} : memref<512xf32, #tpu.memory_space<vmem>>, vector<16xf32>,
    %swap3A_90 = arith.constant 272 : index
    %swap3A_91 = tpu.vector_load %arg8[%swap3A_90] {strides = array<i32>} : memref<512xf32, #tpu.memory_space<vmem>>, vector<16xf32>,
    tpu.vector_store %arg8[%swap3A_90], %scan3A_86#1 {strides = array<i32>} : memref<512xf32, #tpu.memory_space<vmem>>, vector<16xf32>,
    %swap3A_92 = arith.constant 288 : index
    %swap3A_93 = tpu.vector_load %arg8[%swap3A_92] {strides = array<i32>} : memref<512xf32, #tpu.memory_space<vmem>>, vector<16xf32>,
    tpu.vector_store %arg8[%swap3A_92], %scan3A_86#2 {strides = array<i32>} : memref<512xf32, #tpu.memory_space<vmem>>, vector<16xf32>,
    %swap3A_94 = arith.constant 304 : index
    %swap3A_95 = tpu.vector_load %arg8[%swap3A_94] {strides = array<i32>} : memref<512xf32, #tpu.memory_space<vmem>>, vector<16xf32>,
    tpu.vector_store %arg8[%swap3A_94], %scan3A_86#3 {strides = array<i32>} : memref<512xf32, #tpu.memory_space<vmem>>, vector<16xf32>,
    %swap3A_96 = arith.constant 320 : index
    %swap3A_97 = tpu.vector_load %arg8[%swap3A_96] {strides = array<i32>} : memref<512xf32, #tpu.memory_space<vmem>>, vector<16xf32>,
    tpu.vector_store %arg8[%swap3A_96], %scan3A_86#4 {strides = array<i32>} : memref<512xf32, #tpu.memory_space<vmem>>, vector<16xf32>,
    %swap3A_98 = arith.constant 336 : index
    %swap3A_99 = tpu.vector_load %arg8[%swap3A_98] {strides = array<i32>} : memref<512xf32, #tpu.memory_space<vmem>>, vector<16xf32>,
    tpu.vector_store %arg8[%swap3A_98], %scan3A_86#5 {strides = array<i32>} : memref<512xf32, #tpu.memory_space<vmem>>, vector<16xf32>,
    %swap3A_100 = arith.constant 352 : index
    %swap3A_101 = tpu.vector_load %arg8[%swap3A_100] {strides = array<i32>} : memref<512xf32, #tpu.memory_space<vmem>>, vector<16xf32>,
    tpu.vector_store %arg8[%swap3A_100], %scan3A_86#6 {strides = array<i32>} : memref<512xf32, #tpu.memory_space<vmem>>, vector<16xf32>,
    %swap3A_102 = arith.constant 368 : index
    %swap3A_103 = tpu.vector_load %arg8[%swap3A_102] {strides = array<i32>} : memref<512xf32, #tpu.memory_space<vmem>>, vector<16xf32>,
    tpu.vector_store %arg8[%swap3A_102], %scan3A_86#7 {strides = array<i32>} : memref<512xf32, #tpu.memory_space<vmem>>, vector<16xf32>,
    %dma_wait3A_104 = arith.constant 0 : i32
    %dma_wait3A_105 = tpu.memref_slice %arg2[%dma_wait3A_104, %add3A_71] : memref<200x16384xi32, #tpu.memory_space<hbm>> -> memref<200x128xi32, #tpu.memory_space<hbm>>
    %dma_wait3A_106 = arith.constant 0 : i32
    %dma_wait3A_107 = tpu.memref_slice %arg2[%dma_wait3A_106, %add3A_71] : memref<200x16384xi32, #tpu.memory_space<hbm>> -> memref<200x128xi32, #tpu.memory_space<hbm>>
    tpu.wait_dma2 semaphore(%arg10 : memref<!tpu.dma_semaphore, #tpu.memory_space<semaphore_mem>>) src(%dma_wait3A_107 : memref<200x128xi32, #tpu.memory_space<hbm>>) dst(%arg7 : memref<200x128xi32, #tpu.memory_space<vmem>>)
    %broadcast_in_dim3A_108 = arith.constant 0.000000e+00 : f32
    %broadcast_in_dim3A_109 = vector.broadcast %broadcast_in_dim3A_108 : f32 to vector<16xf32>
    %scan3A_110 = arith.constant 0 : i32
    %scan3A_111 = arith.constant 100 : i32
    %scan3A_112 = arith.addi %scan3A_110, %scan3A_111 : i32
    %scan3A_113 = arith.constant 2 : i32
    %scan3A_114:8 = scf.for %scan3A_132 = %scan3A_110 to %scan3A_112 step %scan3A_113 iter_args(%scan3A_133 = %broadcast_in_dim3A_109, %scan3A_134 = %broadcast_in_dim3A_109, %scan3A_135 = %broadcast_in_dim3A_109, %scan3A_136 = %broadcast_in_dim3A_109, %scan3A_137 = %broadcast_in_dim3A_109, %scan3A_138 = %broadcast_in_dim3A_109, %scan3A_139 = %broadcast_in_dim3A_109, %scan3A_140 = %broadcast_in_dim3A_109) -> (vector<16xf32>, vector<16xf32>, vector<16xf32>, vector<16xf32>, vector<16xf32>, vector<16xf32>, vector<16xf32>, vector<16xf32>)  : i32 {
      %mul3A_141 = arith.constant 1 : i32
      %mul3A_142 = arith.muli %scan3A_132, %mul3A_141 : i32
      %add3A_143 = arith.constant 0 : i32
      %add3A_144 = arith.addi %add3A_143, %mul3A_142 : i32
      %mul3A_145 = arith.constant 2 : i32
      %mul3A_146 = arith.muli %add3A_144, %mul3A_145 : i32
      %get3A = arith.index_cast %mul3A_146 : i32 to index
      %get3A_147 = arith.constant 0 : index
      %get3A_148 = tpu.vector_load %arg7[%get3A, %get3A_147] {strides = array<i32>} : memref<200x128xi32, #tpu.memory_space<vmem>>, vector<16xi32>,
      %add3A_149 = arith.constant 1 : i32
      %add3A_150 = arith.addi %mul3A_146, %add3A_149 : i32
      %get3A_151 = arith.index_cast %add3A_150 : i32 to index
      %get3A_152 = arith.constant 0 : index
      %get3A_153 = tpu.vector_load %arg7[%get3A_151, %get3A_152] {strides = array<i32>} : memref<200x128xi32, #tpu.memory_space<vmem>>, vector<16xi32>,
      %shift_left3A = arith.constant 7 : i32
      %shift_left3A_154 = vector.broadcast %shift_left3A : i32 to vector<16xi32>
      %shift_left3A_155 = arith.shli %get3A_153, %shift_left3A_154 : vector<16xi32>
      %add3A_156 = arith.addi %get3A_148, %shift_left3A_155 : vector<16xi32>
      %gather3A = tpu.vector_load_idx %arg5[%add3A_156] : memref<16384xf32, #tpu.memory_space<vmem>>[vector<16xi32>], vector<16xf32>,
      %add3A_157 = arith.addf %scan3A_133, %gather3A : vector<16xf32>
      %get3A_158 = arith.index_cast %mul3A_146 : i32 to index
      %get3A_159 = arith.constant 16 : index
      %get3A_160 = tpu.vector_load %arg7[%get3A_158, %get3A_159] {strides = array<i32>} : memref<200x128xi32, #tpu.memory_space<vmem>>, vector<16xi32>,
      %add3A_161 = arith.constant 1 : i32
      %add3A_162 = arith.addi %mul3A_146, %add3A_161 : i32
      %get3A_163 = arith.index_cast %add3A_162 : i32 to index
      %get3A_164 = arith.constant 16 : index
      %get3A_165 = tpu.vector_load %arg7[%get3A_163, %get3A_164] {strides = array<i32>} : memref<200x128xi32, #tpu.memory_space<vmem>>, vector<16xi32>,
      %shift_left3A_166 = arith.constant 7 : i32
      %shift_left3A_167 = vector.broadcast %shift_left3A_166 : i32 to vector<16xi32>
      %shift_left3A_168 = arith.shli %get3A_165, %shift_left3A_167 : vector<16xi32>
      %add3A_169 = arith.addi %get3A_160, %shift_left3A_168 : vector<16xi32>
      %gather3A_170 = tpu.vector_load_idx %arg5[%add3A_169] : memref<16384xf32, #tpu.memory_space<vmem>>[vector<16xi32>], vector<16xf32>,
      %add3A_171 = arith.addf %scan3A_134, %gather3A_170 : vector<16xf32>
      %get3A_172 = arith.index_cast %mul3A_146 : i32 to index
      %get3A_173 = arith.constant 32 : index
      %get3A_174 = tpu.vector_load %arg7[%get3A_172, %get3A_173] {strides = array<i32>} : memref<200x128xi32, #tpu.memory_space<vmem>>, vector<16xi32>,
      %add3A_175 = arith.constant 1 : i32
      %add3A_176 = arith.addi %mul3A_146, %add3A_175 : i32
      %get3A_177 = arith.index_cast %add3A_176 : i32 to index
      %get3A_178 = arith.constant 32 : index
      %get3A_179 = tpu.vector_load %arg7[%get3A_177, %get3A_178] {strides = array<i32>} : memref<200x128xi32, #tpu.memory_space<vmem>>, vector<16xi32>,
      %shift_left3A_180 = arith.constant 7 : i32
      %shift_left3A_181 = vector.broadcast %shift_left3A_180 : i32 to vector<16xi32>
      %shift_left3A_182 = arith.shli %get3A_179, %shift_left3A_181 : vector<16xi32>
      %add3A_183 = arith.addi %get3A_174, %shift_left3A_182 : vector<16xi32>
      %gather3A_184 = tpu.vector_load_idx %arg5[%add3A_183] : memref<16384xf32, #tpu.memory_space<vmem>>[vector<16xi32>], vector<16xf32>,
      %add3A_185 = arith.addf %scan3A_135, %gather3A_184 : vector<16xf32>
      %get3A_186 = arith.index_cast %mul3A_146 : i32 to index
      %get3A_187 = arith.constant 48 : index
      %get3A_188 = tpu.vector_load %arg7[%get3A_186, %get3A_187] {strides = array<i32>} : memref<200x128xi32, #tpu.memory_space<vmem>>, vector<16xi32>,
      %add3A_189 = arith.constant 1 : i32
      %add3A_190 = arith.addi %mul3A_146, %add3A_189 : i32
      %get3A_191 = arith.index_cast %add3A_190 : i32 to index
      %get3A_192 = arith.constant 48 : index
      %get3A_193 = tpu.vector_load %arg7[%get3A_191, %get3A_192] {strides = array<i32>} : memref<200x128xi32, #tpu.memory_space<vmem>>, vector<16xi32>,
      %shift_left3A_194 = arith.constant 7 : i32
      %shift_left3A_195 = vector.broadcast %shift_left3A_194 : i32 to vector<16xi32>
      %shift_left3A_196 = arith.shli %get3A_193, %shift_left3A_195 : vector<16xi32>
      %add3A_197 = arith.addi %get3A_188, %shift_left3A_196 : vector<16xi32>
      %gather3A_198 = tpu.vector_load_idx %arg5[%add3A_197] : memref<16384xf32, #tpu.memory_space<vmem>>[vector<16xi32>], vector<16xf32>,
      %add3A_199 = arith.addf %scan3A_136, %gather3A_198 : vector<16xf32>
      %get3A_200 = arith.index_cast %mul3A_146 : i32 to index
      %get3A_201 = arith.constant 64 : index
      %get3A_202 = tpu.vector_load %arg7[%get3A_200, %get3A_201] {strides = array<i32>} : memref<200x128xi32, #tpu.memory_space<vmem>>, vector<16xi32>,
      %add3A_203 = arith.constant 1 : i32
      %add3A_204 = arith.addi %mul3A_146, %add3A_203 : i32
      %get3A_205 = arith.index_cast %add3A_204 : i32 to index
      %get3A_206 = arith.constant 64 : index
      %get3A_207 = tpu.vector_load %arg7[%get3A_205, %get3A_206] {strides = array<i32>} : memref<200x128xi32, #tpu.memory_space<vmem>>, vector<16xi32>,
      %shift_left3A_208 = arith.constant 7 : i32
      %shift_left3A_209 = vector.broadcast %shift_left3A_208 : i32 to vector<16xi32>
      %shift_left3A_210 = arith.shli %get3A_207, %shift_left3A_209 : vector<16xi32>
      %add3A_211 = arith.addi %get3A_202, %shift_left3A_210 : vector<16xi32>
      %gather3A_212 = tpu.vector_load_idx %arg5[%add3A_211] : memref<16384xf32, #tpu.memory_space<vmem>>[vector<16xi32>], vector<16xf32>,
      %add3A_213 = arith.addf %scan3A_137, %gather3A_212 : vector<16xf32>
      %get3A_214 = arith.index_cast %mul3A_146 : i32 to index
      %get3A_215 = arith.constant 80 : index
      %get3A_216 = tpu.vector_load %arg7[%get3A_214, %get3A_215] {strides = array<i32>} : memref<200x128xi32, #tpu.memory_space<vmem>>, vector<16xi32>,
      %add3A_217 = arith.constant 1 : i32
      %add3A_218 = arith.addi %mul3A_146, %add3A_217 : i32
      %get3A_219 = arith.index_cast %add3A_218 : i32 to index
      %get3A_220 = arith.constant 80 : index
      %get3A_221 = tpu.vector_load %arg7[%get3A_219, %get3A_220] {strides = array<i32>} : memref<200x128xi32, #tpu.memory_space<vmem>>, vector<16xi32>,
      %shift_left3A_222 = arith.constant 7 : i32
      %shift_left3A_223 = vector.broadcast %shift_left3A_222 : i32 to vector<16xi32>
      %shift_left3A_224 = arith.shli %get3A_221, %shift_left3A_223 : vector<16xi32>
      %add3A_225 = arith.addi %get3A_216, %shift_left3A_224 : vector<16xi32>
      %gather3A_226 = tpu.vector_load_idx %arg5[%add3A_225] : memref<16384xf32, #tpu.memory_space<vmem>>[vector<16xi32>], vector<16xf32>,
      %add3A_227 = arith.addf %scan3A_138, %gather3A_226 : vector<16xf32>
      %get3A_228 = arith.index_cast %mul3A_146 : i32 to index
      %get3A_229 = arith.constant 96 : index
      %get3A_230 = tpu.vector_load %arg7[%get3A_228, %get3A_229] {strides = array<i32>} : memref<200x128xi32, #tpu.memory_space<vmem>>, vector<16xi32>,
      %add3A_231 = arith.constant 1 : i32
      %add3A_232 = arith.addi %mul3A_146, %add3A_231 : i32
      %get3A_233 = arith.index_cast %add3A_232 : i32 to index
      %get3A_234 = arith.constant 96 : index
      %get3A_235 = tpu.vector_load %arg7[%get3A_233, %get3A_234] {strides = array<i32>} : memref<200x128xi32, #tpu.memory_space<vmem>>, vector<16xi32>,
      %shift_left3A_236 = arith.constant 7 : i32
      %shift_left3A_237 = vector.broadcast %shift_left3A_236 : i32 to vector<16xi32>
      %shift_left3A_238 = arith.shli %get3A_235, %shift_left3A_237 : vector<16xi32>
      %add3A_239 = arith.addi %get3A_230, %shift_left3A_238 : vector<16xi32>
      %gather3A_240 = tpu.vector_load_idx %arg5[%add3A_239] : memref<16384xf32, #tpu.memory_space<vmem>>[vector<16xi32>], vector<16xf32>,
      %add3A_241 = arith.addf %scan3A_139, %gather3A_240 : vector<16xf32>
      %get3A_242 = arith.index_cast %mul3A_146 : i32 to index
      %get3A_243 = arith.constant 112 : index
      %get3A_244 = tpu.vector_load %arg7[%get3A_242, %get3A_243] {strides = array<i32>} : memref<200x128xi32, #tpu.memory_space<vmem>>, vector<16xi32>,
      %add3A_245 = arith.constant 1 : i32
      %add3A_246 = arith.addi %mul3A_146, %add3A_245 : i32
      %get3A_247 = arith.index_cast %add3A_246 : i32 to index
      %get3A_248 = arith.constant 112 : index
      %get3A_249 = tpu.vector_load %arg7[%get3A_247, %get3A_248] {strides = array<i32>} : memref<200x128xi32, #tpu.memory_space<vmem>>, vector<16xi32>,
      %shift_left3A_250 = arith.constant 7 : i32
      %shift_left3A_251 = vector.broadcast %shift_left3A_250 : i32 to vector<16xi32>
      %shift_left3A_252 = arith.shli %get3A_249, %shift_left3A_251 : vector<16xi32>
      %add3A_253 = arith.addi %get3A_244, %shift_left3A_252 : vector<16xi32>
      %gather3A_254 = tpu.vector_load_idx %arg5[%add3A_253] : memref<16384xf32, #tpu.memory_space<vmem>>[vector<16xi32>], vector<16xf32>,
      %add3A_255 = arith.addf %scan3A_140, %gather3A_254 : vector<16xf32>
      %scan3A_256 = arith.constant 1 : i32
      %scan3A_257 = arith.addi %scan3A_132, %scan3A_256 : i32
      %mul3A_258 = arith.constant 1 : i32
      %mul3A_259 = arith.muli %scan3A_257, %mul3A_258 : i32
      %add3A_260 = arith.constant 0 : i32
      %add3A_261 = arith.addi %add3A_260, %mul3A_259 : i32
      %mul3A_262 = arith.constant 2 : i32
      %mul3A_263 = arith.muli %add3A_261, %mul3A_262 : i32
      %get3A_264 = arith.index_cast %mul3A_263 : i32 to index
      %get3A_265 = arith.constant 0 : index
      %get3A_266 = tpu.vector_load %arg7[%get3A_264, %get3A_265] {strides = array<i32>} : memref<200x128xi32, #tpu.memory_space<vmem>>, vector<16xi32>,
      %add3A_267 = arith.constant 1 : i32
      %add3A_268 = arith.addi %mul3A_263, %add3A_267 : i32
      %get3A_269 = arith.index_cast %add3A_268 : i32 to index
      %get3A_270 = arith.constant 0 : index
      %get3A_271 = tpu.vector_load %arg7[%get3A_269, %get3A_270] {strides = array<i32>} : memref<200x128xi32, #tpu.memory_space<vmem>>, vector<16xi32>,
      %shift_left3A_272 = arith.constant 7 : i32
      %shift_left3A_273 = vector.broadcast %shift_left3A_272 : i32 to vector<16xi32>
      %shift_left3A_274 = arith.shli %get3A_271, %shift_left3A_273 : vector<16xi32>
      %add3A_275 = arith.addi %get3A_266, %shift_left3A_274 : vector<16xi32>
      %gather3A_276 = tpu.vector_load_idx %arg5[%add3A_275] : memref<16384xf32, #tpu.memory_space<vmem>>[vector<16xi32>], vector<16xf32>,
      %add3A_277 = arith.addf %add3A_157, %gather3A_276 : vector<16xf32>
      %get3A_278 = arith.index_cast %mul3A_263 : i32 to index
      %get3A_279 = arith.constant 16 : index
      %get3A_280 = tpu.vector_load %arg7[%get3A_278, %get3A_279] {strides = array<i32>} : memref<200x128xi32, #tpu.memory_space<vmem>>, vector<16xi32>,
      %add3A_281 = arith.constant 1 : i32
      %add3A_282 = arith.addi %mul3A_263, %add3A_281 : i32
      %get3A_283 = arith.index_cast %add3A_282 : i32 to index
      %get3A_284 = arith.constant 16 : index
      %get3A_285 = tpu.vector_load %arg7[%get3A_283, %get3A_284] {strides = array<i32>} : memref<200x128xi32, #tpu.memory_space<vmem>>, vector<16xi32>,
      %shift_left3A_286 = arith.constant 7 : i32
      %shift_left3A_287 = vector.broadcast %shift_left3A_286 : i32 to vector<16xi32>
      %shift_left3A_288 = arith.shli %get3A_285, %shift_left3A_287 : vector<16xi32>
      %add3A_289 = arith.addi %get3A_280, %shift_left3A_288 : vector<16xi32>
      %gather3A_290 = tpu.vector_load_idx %arg5[%add3A_289] : memref<16384xf32, #tpu.memory_space<vmem>>[vector<16xi32>], vector<16xf32>,
      %add3A_291 = arith.addf %add3A_171, %gather3A_290 : vector<16xf32>
      %get3A_292 = arith.index_cast %mul3A_263 : i32 to index
      %get3A_293 = arith.constant 32 : index
      %get3A_294 = tpu.vector_load %arg7[%get3A_292, %get3A_293] {strides = array<i32>} : memref<200x128xi32, #tpu.memory_space<vmem>>, vector<16xi32>,
      %add3A_295 = arith.constant 1 : i32
      %add3A_296 = arith.addi %mul3A_263, %add3A_295 : i32
      %get3A_297 = arith.index_cast %add3A_296 : i32 to index
      %get3A_298 = arith.constant 32 : index
      %get3A_299 = tpu.vector_load %arg7[%get3A_297, %get3A_298] {strides = array<i32>} : memref<200x128xi32, #tpu.memory_space<vmem>>, vector<16xi32>,
      %shift_left3A_300 = arith.constant 7 : i32
      %shift_left3A_301 = vector.broadcast %shift_left3A_300 : i32 to vector<16xi32>
      %shift_left3A_302 = arith.shli %get3A_299, %shift_left3A_301 : vector<16xi32>
      %add3A_303 = arith.addi %get3A_294, %shift_left3A_302 : vector<16xi32>
      %gather3A_304 = tpu.vector_load_idx %arg5[%add3A_303] : memref<16384xf32, #tpu.memory_space<vmem>>[vector<16xi32>], vector<16xf32>,
      %add3A_305 = arith.addf %add3A_185, %gather3A_304 : vector<16xf32>
      %get3A_306 = arith.index_cast %mul3A_263 : i32 to index
      %get3A_307 = arith.constant 48 : index
      %get3A_308 = tpu.vector_load %arg7[%get3A_306, %get3A_307] {strides = array<i32>} : memref<200x128xi32, #tpu.memory_space<vmem>>, vector<16xi32>,
      %add3A_309 = arith.constant 1 : i32
      %add3A_310 = arith.addi %mul3A_263, %add3A_309 : i32
      %get3A_311 = arith.index_cast %add3A_310 : i32 to index
      %get3A_312 = arith.constant 48 : index
      %get3A_313 = tpu.vector_load %arg7[%get3A_311, %get3A_312] {strides = array<i32>} : memref<200x128xi32, #tpu.memory_space<vmem>>, vector<16xi32>,
      %shift_left3A_314 = arith.constant 7 : i32
      %shift_left3A_315 = vector.broadcast %shift_left3A_314 : i32 to vector<16xi32>
      %shift_left3A_316 = arith.shli %get3A_313, %shift_left3A_315 : vector<16xi32>
      %add3A_317 = arith.addi %get3A_308, %shift_left3A_316 : vector<16xi32>
      %gather3A_318 = tpu.vector_load_idx %arg5[%add3A_317] : memref<16384xf32, #tpu.memory_space<vmem>>[vector<16xi32>], vector<16xf32>,
      %add3A_319 = arith.addf %add3A_199, %gather3A_318 : vector<16xf32>
      %get3A_320 = arith.index_cast %mul3A_263 : i32 to index
      %get3A_321 = arith.constant 64 : index
      %get3A_322 = tpu.vector_load %arg7[%get3A_320, %get3A_321] {strides = array<i32>} : memref<200x128xi32, #tpu.memory_space<vmem>>, vector<16xi32>,
      %add3A_323 = arith.constant 1 : i32
      %add3A_324 = arith.addi %mul3A_263, %add3A_323 : i32
      %get3A_325 = arith.index_cast %add3A_324 : i32 to index
      %get3A_326 = arith.constant 64 : index
      %get3A_327 = tpu.vector_load %arg7[%get3A_325, %get3A_326] {strides = array<i32>} : memref<200x128xi32, #tpu.memory_space<vmem>>, vector<16xi32>,
      %shift_left3A_328 = arith.constant 7 : i32
      %shift_left3A_329 = vector.broadcast %shift_left3A_328 : i32 to vector<16xi32>
      %shift_left3A_330 = arith.shli %get3A_327, %shift_left3A_329 : vector<16xi32>
      %add3A_331 = arith.addi %get3A_322, %shift_left3A_330 : vector<16xi32>
      %gather3A_332 = tpu.vector_load_idx %arg5[%add3A_331] : memref<16384xf32, #tpu.memory_space<vmem>>[vector<16xi32>], vector<16xf32>,
      %add3A_333 = arith.addf %add3A_213, %gather3A_332 : vector<16xf32>
      %get3A_334 = arith.index_cast %mul3A_263 : i32 to index
      %get3A_335 = arith.constant 80 : index
      %get3A_336 = tpu.vector_load %arg7[%get3A_334, %get3A_335] {strides = array<i32>} : memref<200x128xi32, #tpu.memory_space<vmem>>, vector<16xi32>,
      %add3A_337 = arith.constant 1 : i32
      %add3A_338 = arith.addi %mul3A_263, %add3A_337 : i32
      %get3A_339 = arith.index_cast %add3A_338 : i32 to index
      %get3A_340 = arith.constant 80 : index
      %get3A_341 = tpu.vector_load %arg7[%get3A_339, %get3A_340] {strides = array<i32>} : memref<200x128xi32, #tpu.memory_space<vmem>>, vector<16xi32>,
      %shift_left3A_342 = arith.constant 7 : i32
      %shift_left3A_343 = vector.broadcast %shift_left3A_342 : i32 to vector<16xi32>
      %shift_left3A_344 = arith.shli %get3A_341, %shift_left3A_343 : vector<16xi32>
      %add3A_345 = arith.addi %get3A_336, %shift_left3A_344 : vector<16xi32>
      %gather3A_346 = tpu.vector_load_idx %arg5[%add3A_345] : memref<16384xf32, #tpu.memory_space<vmem>>[vector<16xi32>], vector<16xf32>,
      %add3A_347 = arith.addf %add3A_227, %gather3A_346 : vector<16xf32>
      %get3A_348 = arith.index_cast %mul3A_263 : i32 to index
      %get3A_349 = arith.constant 96 : index
      %get3A_350 = tpu.vector_load %arg7[%get3A_348, %get3A_349] {strides = array<i32>} : memref<200x128xi32, #tpu.memory_space<vmem>>, vector<16xi32>,
      %add3A_351 = arith.constant 1 : i32
      %add3A_352 = arith.addi %mul3A_263, %add3A_351 : i32
      %get3A_353 = arith.index_cast %add3A_352 : i32 to index
      %get3A_354 = arith.constant 96 : index
      %get3A_355 = tpu.vector_load %arg7[%get3A_353, %get3A_354] {strides = array<i32>} : memref<200x128xi32, #tpu.memory_space<vmem>>, vector<16xi32>,
      %shift_left3A_356 = arith.constant 7 : i32
      %shift_left3A_357 = vector.broadcast %shift_left3A_356 : i32 to vector<16xi32>
      %shift_left3A_358 = arith.shli %get3A_355, %shift_left3A_357 : vector<16xi32>
      %add3A_359 = arith.addi %get3A_350, %shift_left3A_358 : vector<16xi32>
      %gather3A_360 = tpu.vector_load_idx %arg5[%add3A_359] : memref<16384xf32, #tpu.memory_space<vmem>>[vector<16xi32>], vector<16xf32>,
      %add3A_361 = arith.addf %add3A_241, %gather3A_360 : vector<16xf32>
      %get3A_362 = arith.index_cast %mul3A_263 : i32 to index
      %get3A_363 = arith.constant 112 : index
      %get3A_364 = tpu.vector_load %arg7[%get3A_362, %get3A_363] {strides = array<i32>} : memref<200x128xi32, #tpu.memory_space<vmem>>, vector<16xi32>,
      %add3A_365 = arith.constant 1 : i32
      %add3A_366 = arith.addi %mul3A_263, %add3A_365 : i32
      %get3A_367 = arith.index_cast %add3A_366 : i32 to index
      %get3A_368 = arith.constant 112 : index
      %get3A_369 = tpu.vector_load %arg7[%get3A_367, %get3A_368] {strides = array<i32>} : memref<200x128xi32, #tpu.memory_space<vmem>>, vector<16xi32>,
      %shift_left3A_370 = arith.constant 7 : i32
      %shift_left3A_371 = vector.broadcast %shift_left3A_370 : i32 to vector<16xi32>
      %shift_left3A_372 = arith.shli %get3A_369, %shift_left3A_371 : vector<16xi32>
      %add3A_373 = arith.addi %get3A_364, %shift_left3A_372 : vector<16xi32>
      %gather3A_374 = tpu.vector_load_idx %arg5[%add3A_373] : memref<16384xf32, #tpu.memory_space<vmem>>[vector<16xi32>], vector<16xf32>,
      %add3A_375 = arith.addf %add3A_255, %gather3A_374 : vector<16xf32>
      scf.yield %add3A_277, %add3A_291, %add3A_305, %add3A_319, %add3A_333, %add3A_347, %add3A_361, %add3A_375 : vector<16xf32>, vector<16xf32>, vector<16xf32>, vector<16xf32>, vector<16xf32>, vector<16xf32>, vector<16xf32>, vector<16xf32>
    }
    %scan3A_115 = arith.constant 100 : i32
    %swap3A_116 = arith.constant 384 : index
    %swap3A_117 = tpu.vector_load %arg8[%swap3A_116] {strides = array<i32>} : memref<512xf32, #tpu.memory_space<vmem>>, vector<16xf32>,
    tpu.vector_store %arg8[%swap3A_116], %scan3A_114#0 {strides = array<i32>} : memref<512xf32, #tpu.memory_space<vmem>>, vector<16xf32>,
    %swap3A_118 = arith.constant 400 : index
    %swap3A_119 = tpu.vector_load %arg8[%swap3A_118] {strides = array<i32>} : memref<512xf32, #tpu.memory_space<vmem>>, vector<16xf32>,
    tpu.vector_store %arg8[%swap3A_118], %scan3A_114#1 {strides = array<i32>} : memref<512xf32, #tpu.memory_space<vmem>>, vector<16xf32>,
    %swap3A_120 = arith.constant 416 : index
    %swap3A_121 = tpu.vector_load %arg8[%swap3A_120] {strides = array<i32>} : memref<512xf32, #tpu.memory_space<vmem>>, vector<16xf32>,
    tpu.vector_store %arg8[%swap3A_120], %scan3A_114#2 {strides = array<i32>} : memref<512xf32, #tpu.memory_space<vmem>>, vector<16xf32>,
    %swap3A_122 = arith.constant 432 : index
    %swap3A_123 = tpu.vector_load %arg8[%swap3A_122] {strides = array<i32>} : memref<512xf32, #tpu.memory_space<vmem>>, vector<16xf32>,
    tpu.vector_store %arg8[%swap3A_122], %scan3A_114#3 {strides = array<i32>} : memref<512xf32, #tpu.memory_space<vmem>>, vector<16xf32>,
    %swap3A_124 = arith.constant 448 : index
    %swap3A_125 = tpu.vector_load %arg8[%swap3A_124] {strides = array<i32>} : memref<512xf32, #tpu.memory_space<vmem>>, vector<16xf32>,
    tpu.vector_store %arg8[%swap3A_124], %scan3A_114#4 {strides = array<i32>} : memref<512xf32, #tpu.memory_space<vmem>>, vector<16xf32>,
    %swap3A_126 = arith.constant 464 : index
    %swap3A_127 = tpu.vector_load %arg8[%swap3A_126] {strides = array<i32>} : memref<512xf32, #tpu.memory_space<vmem>>, vector<16xf32>,
    tpu.vector_store %arg8[%swap3A_126], %scan3A_114#5 {strides = array<i32>} : memref<512xf32, #tpu.memory_space<vmem>>, vector<16xf32>,
    %swap3A_128 = arith.constant 480 : index
    %swap3A_129 = tpu.vector_load %arg8[%swap3A_128] {strides = array<i32>} : memref<512xf32, #tpu.memory_space<vmem>>, vector<16xf32>,
    tpu.vector_store %arg8[%swap3A_128], %scan3A_114#6 {strides = array<i32>} : memref<512xf32, #tpu.memory_space<vmem>>, vector<16xf32>,
    %swap3A_130 = arith.constant 496 : index
    %swap3A_131 = tpu.vector_load %arg8[%swap3A_130] {strides = array<i32>} : memref<512xf32, #tpu.memory_space<vmem>>, vector<16xf32>,
    tpu.vector_store %arg8[%swap3A_130], %scan3A_114#7 {strides = array<i32>} : memref<512xf32, #tpu.memory_space<vmem>>, vector<16xf32>,
    "tpu.region"() ({
      %run_scoped3A = tpu.sem_alloc : memref<!tpu.dma_semaphore, #tpu.memory_space<semaphore_mem>>
      %dma_start3A_132 = tpu.memref_slice %arg4[%mul3A_2] : memref<16384xf32, #tpu.memory_space<hbm>> -> memref<512xf32, #tpu.memory_space<hbm>>
      %dma_start3A_133 = tpu.memref_slice %arg4[%mul3A_2] : memref<16384xf32, #tpu.memory_space<hbm>> -> memref<512xf32, #tpu.memory_space<hbm>>
      tpu.enqueue_dma source(%arg8 : memref<512xf32, #tpu.memory_space<vmem>>) target(%dma_start3A_133 : memref<512xf32, #tpu.memory_space<hbm>>) target_semaphore(%run_scoped3A : memref<!tpu.dma_semaphore, #tpu.memory_space<semaphore_mem>>)
      %dma_wait3A_134 = tpu.memref_slice %arg4[%mul3A_2] : memref<16384xf32, #tpu.memory_space<hbm>> -> memref<512xf32, #tpu.memory_space<hbm>>
      %dma_wait3A_135 = tpu.memref_slice %arg4[%mul3A_2] : memref<16384xf32, #tpu.memory_space<hbm>> -> memref<512xf32, #tpu.memory_space<hbm>>
      tpu.wait_dma2 semaphore(%run_scoped3A : memref<!tpu.dma_semaphore, #tpu.memory_space<semaphore_mem>>) src(%arg8 : memref<512xf32, #tpu.memory_space<vmem>>) dst(%dma_wait3A_135 : memref<512xf32, #tpu.memory_space<hbm>>)
      tpu.yield
    }) : () -> ()
    return
  }
}

</mosaic_0001>

<sc_bundles>
// kernel: kernel.3.cloned.1.call-start
scs
__scs_entry_jumppad:
0x0: {  	(pc) =	sbr.rel $0x88, $3  }
0x1: {  	(tag) =	ssettag $0x0;
	lr =	simm.s32 $0x1  }
0x2: {  	[smem:$0x3F9F] =	sst lr;
	_ =	strace $0xD0000000  }
0x3: {  	_ = 	snop  }
0x4: {  	_ = 	snop  }
0x5: {  	_ = 	snop  }
0x6: {  	_ = 	snop  }
0x7: {  	_ = 	snop  }
__scs_overlays_trampoline_lowered:
0x8: {  	[smem:$0x3FAE] =	sst s0  }
0x9: {  	[smem:$0x3FAF] =	sst s1  }
0xa: {  	[smem:$0x3FB0] =	sst s2  }
0xb: {  	[smem:$0x3FB1] =	sst s3  }
0xc: {  	[smem:$0x3FB2] =	sst s4  }
0xd: {  	[smem:$0x3FB3] =	sst s5  }
0xe: {  	[smem:$0x3FB4] =	sst s6  }
0xf: {  	[smem:$0x3FB5] =	sst s7  }
0x10: {  	[smem:$0x3FB6] =	sst s8  }
0x11: {  	[smem:$0x3FB7] =	sst s9;
	s0 =	simm.s32 @!p0 $0x0  }
0x12: {  	s1 =	sld [smem:$0x3F9D];
	s0 =	simm.s32 @p0 $0x1  }
0x13: {  	[smem:$0x3FB8] =	sst s0;
	s0 =	simm.s32 @!p1 $0x0  }
0x14: {  	s2 =	sld [smem:$0x3F9C];
	s0 =	simm.s32 @p1 $0x1  }
0x15: {  	[smem:$0x3FB9] =	sst s0;
	s0 =	simm.s32 @!p2 $0x0  }
0x16: {  	s3 =	sld [smem:$0x3FDB];
	s0 =	simm.s32 @p2 $0x1  }
0x17: {  	s4 =	simm.s32 $0x1BF5;
	[smem:$0x3FBB] =	sst s0  }
0x18: {  	s0 =	sld [smem:$0x3F9E];
	_ =	swait.ge [sflag:s4], $0x0  }
0x19: {  	s7 =	sld [smem:$0x3F9F]  }
0x1a: {  	s8 =	sadd.s32 $0xFFFFE003, lr  }
0x1b: {  	s9 =	sadd.s32 $0xFFFFFEF7, lr;
	s5 =	simm.s32 $0xFFFFFFFF;
	p2 =	slt.u32 s8, $0xFFFFF086  }
0x1c: {  	p1 =	slt.u32 s9, $0xF7A;
	s5 =	simm.s32 @!p2 $0x0  }
0x1d: {  	s5 =	simm.s32 @p1 $0x1;
	p0 =	seq.s32 s7, s2  }
0x1e: {  	s7 =	smul.u32 @!p0 $0xF7A, s2;
	p2 =	seq.s32 @!p0 s5, $0x0  }
0x1f: {  	s9 =	smul.u32 $0xF7A, s1;
	s8 =	simm.s32 @!p0 $0x1BF5;
	p2 =	por !p2, p0  }
0x20: {  	[sflag:s8] =	ssyncset.s32 @!p0 $0xFFFFF086;
	s6 =	sadd.s32 @!p0 s3, s7;
	s7 =	simm.s32 @!p0 $0x108  }
0x21: {  	s3 =	sadd.s32 s3, s9;
	s6 =	sadd.s32 @!p0 $0x88, s6;
	s7 =	simm.s32 @p2 $0x1082  }
0x22: {  	[simem:s7], [sflag:s8] =	dma.local @!p0 [hbm:s6], $0xF7A  }
0x23: {  	s9 =	sor.u32 $0xD0000000, s2;
	s6 =	simm.s32 $0x108;
	_ =	swait.ge @!p0 [sflag:s8], $0x0  }
0x24: {  	s3 =	sadd.s32 $0x88, s3;
	s6 =	simm.s32 @!p1 $0x1082;
	[sflag:s4] =	ssyncset.s32 $0xFFFFF086  }
0x25: {  	[simem:s6], [sflag:s4] =	dma.local [hbm:s3], $0xF7A  }
0x26: {  	[smem:$0x3F9F] =	sst s1;
	(tag) =	ssettag s2;
	_ =	strace s9  }
0x27: {  	s1 =	sld [smem:$0x3FAF]  }
0x28: {  	s2 =	sld [smem:$0x3FB0]  }
0x29: {  	s4 =	sld [smem:$0x3FB2]  }
0x2a: {  	p0 =	seq.s32 s5, $0x0;
	s5 =	sld [smem:$0x3FB3]  }
0x2b: {  	s6 =	sld [smem:$0x3FB4]  }
0x2c: {  	s7 =	sld [smem:$0x3FB5]  }
0x2d: {  	s3 =	simm.s32 $0x108;
	s8 =	sld [smem:$0x3FB6]  }
0x2e: {  	s3 =	simm.s32 @!p0 $0x1082;
	s9 =	sld [smem:$0x3FB7]  }
0x2f: {  	lr =	sadd.s32 s0, s3;
	s0 =	sld [smem:$0x3FAE]  }
0x30: {  	s3 =	sld [smem:$0x3FB1]  }
0x31: {  	[smem:$0x3FBA] =	sst s10  }
0x32: {  	s10 =	sld [smem:$0x3FB8];
	_ =	sdelay $0x3  }
0x33: {  	p0 =	seq.s32 s10, $0x1;
	s10 =	sld [smem:$0x3FBA];
	_ =	sdelay $0x3  }
0x34: {  	[smem:$0x3FBA] =	sst s10  }
0x35: {  	s10 =	sld [smem:$0x3FB9];
	_ =	sdelay $0x3  }
0x36: {  	p1 =	seq.s32 s10, $0x1;
	s10 =	sld [smem:$0x3FBA];
	_ =	sdelay $0x3  }
0x37: {  	[smem:$0x3FBA] =	sst s10  }
0x38: {  	s10 =	sld [smem:$0x3FBB]  }
0x39: {  	_ = 	snop;
	(pc) =	sbr.ind lr, $3  }
0x3a: {  	_ = 	snop  }
0x3b: {  	_ = 	snop  }
0x3c: {  	p2 =	seq.s32 s10, $0x1;
	s10 =	sld [smem:$0x3FBA]  }
0x3d: {  	_ =	shalt  }
0x3e: {  	_ =	shalt  }
0x3f: {  	_ =	shalt  }
0x40: {  	_ =	shalt  }
0x41: {  	_ =	shalt  }
0x42: {  	_ =	shalt  }
0x43: {  	_ =	shalt  }
0x44: {  	_ =	shalt  }
0x45: {  	_ =	shalt  }
0x46: {  	_ =	shalt  }
0x47: {  	_ =	shalt  }
0x48: {  	_ =	shalt  }
0x49: {  	_ =	shalt  }
0x4a: {  	_ =	shalt  }
0x4b: {  	_ =	shalt  }
0x4c: {  	_ =	shalt  }
0x4d: {  	_ =	shalt  }
0x4e: {  	_ =	shalt  }
0x4f: {  	_ =	shalt  }
0x50: {  	_ =	shalt  }
0x51: {  	_ =	shalt  }
0x52: {  	_ =	shalt  }
0x53: {  	_ =	shalt  }
0x54: {  	_ =	shalt  }
0x55: {  	_ =	shalt  }
0x56: {  	_ =	shalt  }
0x57: {  	_ =	shalt  }
0x58: {  	_ =	shalt  }
0x59: {  	_ =	shalt  }
0x5a: {  	_ =	shalt  }
0x5b: {  	_ =	shalt  }
0x5c: {  	_ =	shalt  }
0x5d: {  	_ =	shalt  }
0x5e: {  	_ =	shalt  }
0x5f: {  	_ =	shalt  }
0x60: {  	_ =	shalt  }
0x61: {  	_ =	shalt  }
0x62: {  	_ =	shalt  }
0x63: {  	_ =	shalt  }
0x64: {  	_ =	shalt  }
0x65: {  	_ =	shalt  }
0x66: {  	_ =	shalt  }
0x67: {  	_ =	shalt  }
0x68: {  	_ =	shalt  }
0x69: {  	_ =	shalt  }
0x6a: {  	_ =	shalt  }
0x6b: {  	_ =	shalt  }
0x6c: {  	_ =	shalt  }
0x6d: {  	_ =	shalt  }
0x6e: {  	_ =	shalt  }
0x6f: {  	_ =	shalt  }
0x70: {  	_ =	shalt  }
0x71: {  	_ =	shalt  }
0x72: {  	_ =	shalt  }
0x73: {  	_ =	shalt  }
0x74: {  	_ =	shalt  }
0x75: {  	_ =	shalt  }
0x76: {  	_ =	shalt  }
0x77: {  	_ =	shalt  }
0x78: {  	_ =	shalt  }
0x79: {  	_ =	shalt  }
0x7a: {  	_ =	shalt  }
0x7b: {  	_ =	shalt  }
0x7c: {  	_ =	shalt  }
0x7d: {  	_ =	shalt  }
0x7e: {  	_ =	shalt  }
0x7f: {  	_ =	shalt  }
0x80: {  	_ =	shalt  }
0x81: {  	_ =	shalt  }
0x82: {  	_ =	shalt  }
0x83: {  	_ =	shalt  }
0x84: {  	_ =	shalt  }
0x85: {  	_ =	shalt  }
0x86: {  	_ =	shalt  }
0x87: {  	_ =	shalt  }
.Lfunc_end0:
.L_simem_size_0:
called_computation_lowered:
.L_overlay_start_0:
0x88: {  	s2 =	sld [smem:$0x3FD9]  }
0x89: {  	s3 =	sld [smem:$0x3FFE];
	_ =	sdelay $0x1  }
0x8a: {  	s1 =	srdreg.scid  }
0x8b: {  	s0 =	sand.u32 $0x1, s1  }
0x8c: {  	s17 =	sshll.u32 s0, $0xA;
	s2 =	sadd.s32 s3, s2  }
0x8d: {  	s2 =	sadd.s32 s2, s17  }
0x8e: {  	[smem:$0x3FC6] =	sst s2  }
0x8f: {  	_ = 	snop  }
0x90: {  	s2 =	sld [smem:$0x3FC9]  }
0x91: {  	s18 =	sld [smem:$0x3FD0];
	(tm) =	ssettm $0x1  }
0x92: {  	s4 =	sld [smem:$0x3FFB];
	_ =	sdelay $0x3  }
0x93: {  	_ =	strace s4  }
0x94: {  	s4 =	sld [smem:$0x3FFC];
	_ =	sdelay $0x3  }
0x95: {  	_ =	strace s4  }
0x96: {  	s4 =	sld [smem:$0x3FFD];
	_ =	sdelay $0x3  }
0x97: {  	_ =	strace s4  }
0x98: {  	_ =	strace $0x8FFFFFFF  }
0x99: {  	s19 =	sld [smem:$0x3FDB];
	_ =	sdelay $0x1  }
0x9a: {  	s5 =	simm.s32 $_scs_section_size  }
0x9b: {  	s6 =	simm.s32 $_size__tile_overlayer_lowered;
	s7 =	simm.s32 $_tile_overlayer_lowered  }
0x9c: {  	s22 =	simm.s32 $0x1BFF;
	s21 =	sshll.u32 s7, $0x1;
	s4 =	sadd.s32 s5, s19  }
0x9d: {  	s8 =	simm.s32 $0x0;
	s20 =	sshll.u32 s6, $0x1;
	s6 =	sadd.s32 s21, s4  }
0x9e: {  	[timem:s8], [sflag:s22] =	dma.local [hbm:s6], s20  }
0x9f: {  	_ =	swait.ge [sflag:s22], s20  }
0xa0: {  	s5 =	ssub.s32 $0x0, s20;
	[sflag:s22] =	ssyncset.done $0x0  }
0xa1: {  	[sflag:s22] =	ssyncadd.s32 s5;
	_ =	sdelay $0x1  }
0xa2: {  	s23 =	simm.s32 $0x1B8B  }
0xa3: {  	_ =	swait.ge [sflag:s23], $0x1  }
0xa4: {  	[sflag:s23] =	ssyncset.done $0x0  }
0xa5: {  	s25 =	simm.s32 $0x1B8E;
	s24 =	sld [smem:$0x3FFE];
	[sflag:s23] =	ssyncadd.s32 $0xFFFFFFFF  }
0xa6: {  	s26 =	simm.s32 $execute0_lowered;
	[smem:$0x3FD2] =	sst s25  }
0xa7: {  	s6 =	sshll.u32 s26, $0x1;
	_ =	strace $0x80000046;
	[dreg:$0x1] =	wrdreg $0xFFFFFFFF  }
0xa8: {  	s28 =	simm.s32 $_size_execute0_lowered;
	s4 =	sadd.s32 s4, s6;
	[dreg:$0x0] =	wrdreg $0x0  }
0xa9: {  	s6 =	sshll.u32 s28, $0x1;
	[dreg:$0x2] =	wrdreg s4  }
0xaa: {  	[dreg:$0x3] =	wrdreg s6  }
0xab: {  	[dreg:$0x4] =	wrdreg $0xC0  }
0xac: {  	_ =	task [dreg:s8], $0x5FFFF  }
0xad: {  	[dreg:$0x1] =	wrdreg $0xFFFFFFFF  }
0xae: {  	[dreg:$0x0] =	wrdreg $0x60  }
0xaf: {  	[dreg:$0x2] =	wrdreg s2  }
0xb0: {  	[dreg:$0x3] =	wrdreg s24  }
0xb1: {  	[dreg:$0x4] =	wrdreg s18  }
0xb2: {  	[dreg:$0x5] =	wrdreg $0x9  }
0xb3: {  	_ =	task.clear_ibuf [dreg:s8], $0x6FFFF;
	_ =	strace $0x90000046  }
0xb4: {  	s29 =	simm.s32 $0x9;
	_ =	strace $0x80000048  }
0xb5: {  	_ =	swait.ge [sflag:s29], $0x1  }
0xb6: {  	[sflag:s29] =	ssyncadd.s32 $0xFFFFFFFF  }
0xb7: {  	_ =	strace $0x90000048  }
0xb8: {  	_ =	sfence  }
0xb9: {  	s30 =	sld [smem:$0x0];
	_ =	sdelay $0x2  }
0xba: {  	s31 =	sshll.u32 s1, $0xD;
	s1 =	sshrl.u32 s1, $0x2  }
0xbb: {  	s3 =	sand.u32 $0x4000, s31;
	s1 =	sadd.s32 s1, s30  }
0xbc: {  	s0 =	sor.u32 s3, s0;
	s1 =	sshll.u32 s1, $0x11  }
0xbd: {  	s0 =	sor.u32 s1, s0  }
0xbe: {  	s0 =	sadd.s32 $0x8F2B, s0  }
0xbf: {  	[sflag:s0] =	ssyncadd.remote.s32 $0x1  }
0xc0: {  	_ =	sfence.sel $0xFFFF  }
0xc1: {  	[dreg:$0x0] =	wrdreg $0xFFFFFFFF;
	(pc) =	sbr.abs _section_cstart, $3  }
0xc2: {  	[dreg:$0x1] =	wrdreg $0xFFFFFFFF  }
0xc3: {  	_ =	task.clear_ibuf [dreg:s8], $0x2FFFF;
	_ =	strace $0x9FFFFFFF  }
0xc4: {  	(tm) =	ssettm $0x7FFFFFFF  }
0xc5: {  	_ =	shalt  }
tec
execute0_lowered:
.L_overlay_start_1:
0x0: {  	(tag) =	ssettag $0x1  }
0x1: {  	s4 =	rddreg [dreg:$0x0]  }
0x2: {  	s3 =	rddreg [dreg:$0x1]  }
0x3: {  	s8 =	rddreg [dreg:$0x2]  }
0x4: {  	s0 =	rddreg [dreg:$0x3];
	s2 =	simm.s32 $0x0;
	s5 =	srdreg.scid  }
0x5: {  	s1 =	stileid.u32;
	s11 =	simm.s32 $0x400;
	s12 =	simm.s32 $0x20000  }
0x6: {  	s13 =	simm.s32 $0x4000;
	s14 =	simm.s32 $0xA400;
	s15 =	simm.s32 $0x1  }
0x7: {  	s16 =	simm.s32 $0x2;
	s17 =	simm.s32 $0x10800;
	s18 =	simm.s32 $0x0  }
0x8: {  	[smem:$0x7FF] =	sst s2;
	s5 =	sand.u32 $0x1, s5;
	s7 =	sshll.u32 s1, $0xA  }
0x9: {  	s3 =	sadd.s32 $0x400, s3;
	s6 =	ssub.s32 $0x2, s5;
	s5 =	sshll.u32 s5, $0x9  }
0xa: {  	_ =	strace $0x80000047;
	s9 =	sshrl.u32 s6, $0x1;
	s7 =	sor.u32 s5, s7  }
0xb: {  	s9 =	ssub.s32 s6, s9;
	s4 =	sadd.s32 s4, s7;
	s10 =	sshrl.u32 s7, $0x3  }
0xc: {  	s5 =	sadd.s32 $0x80, s4;
	s6 =	sadd.s32 $0x100, s4;
	s7 =	sadd.s32 $0x180, s4  }
0xd: {  	s8 =	sadd.s32 s8, s10;
	s9 =	smax.u32 s9, $0x1;
	s10 =	simm.s32 $0x3  }
.LBB2_1:
0xe: {  	[tilespmem:s2], [sflag:$0x3] =	stream.linear.gather [hbm4b:s3+s2], $0x4000, $0x38;
	[tilespmem:$0x10A00] =	vst v63  }
0xf: {  	_ =	swait.ge [sflag:s10], $0x4000  }
0x10: {  	[sflag:s10] =	ssyncset.done $0x0  }
0x11: {  	[sflag:s10] =	ssyncadd.s32 $0xFFFFC000  }
0x12: {  	[tilespmem:s13], [sflag:$0x1] =	stream.strided.gather [hbm4b:s4+s11], $0x6400, s12, s11, $0x38;
	[tilespmem:$0x10A00] =	vst v63  }
0x13: {  	_ = 	snop  }
0x14: {  	[tilespmem:s14], [sflag:$0x2] =	stream.strided.gather [hbm4b:s5+s11], $0x6400, s12, s11, $0x38;
	[tilespmem:$0x10A00] =	vst v63  }
0x15: {  	_ =	swait.ge [sflag:s15], $0x6400  }
0x16: {  	[sflag:s15] =	ssyncset.done $0x0  }
0x17: {  	s19 =	simm.s32 $0x4100;
	[sflag:s15] =	ssyncadd.s32 $0xFFFF9C00  }
0x18: {  	v0 =	vld [tilespmem:s19+$0x0]  }
0x19: {  	v1 =	vld [tilespmem:s19+$0x10]  }
0x1a: {  	v2 =	vld [tilespmem:s19+$0x20]  }
0x1b: {  	v3 =	vld [tilespmem:s19+$0x30]  }
0x1c: {  	v4 =	vld [tilespmem:s19+$0x40]  }
0x1d: {  	v5 =	vld [tilespmem:s19+$0x50]  }
0x1e: {  	v6 =	vld [tilespmem:s19+$0x60]  }
0x1f: {  	v7 =	vld [tilespmem:s19+$0x70]  }
0x20: {  	v8 =	vld [tilespmem:s19+$0x80]  }
0x21: {  	v9 =	vld [tilespmem:s19+$0x90]  }
0x22: {  	v10 =	vld [tilespmem:s19+$0xA0]  }
0x23: {  	v11 =	vld [tilespmem:s19+$0xB0]  }
0x24: {  	v12 =	vld [tilespmem:s19+$0xC0]  }
0x25: {  	v13 =	vld [tilespmem:s19+$0xD0]  }
0x26: {  	v14 =	vld [tilespmem:s19+$0xE0]  }
0x27: {  	v15 =	vld [tilespmem:s19+$0xF0]  }
0x28: {  	v16 =	vld [tilespmem:s19+$0xFFFFFF00]  }
0x29: {  	v17 =	vld [tilespmem:s19+$0xFFFFFF10]  }
0x2a: {  	v18 =	vld [tilespmem:s19+$0xFFFFFF20]  }
0x2b: {  	v19 =	vld [tilespmem:s19+$0xFFFFFF30]  }
0x2c: {  	v20 =	vld [tilespmem:s19+$0xFFFFFF40]  }
0x2d: {  	v21 =	vld [tilespmem:s19+$0xFFFFFF50]  }
0x2e: {  	v22 =	vld [tilespmem:s19+$0xFFFFFF60]  }
0x2f: {  	v23 =	vld [tilespmem:s19+$0xFFFFFF70]  }
0x30: {  	v24 =	vld [tilespmem:s19+$0xFFFFFF80]  }
0x31: {  	v25 =	vld [tilespmem:s19+$0xFFFFFF90]  }
0x32: {  	v26 =	vld [tilespmem:s19+$0xFFFFFFA0];
	v8 =	vshll.u32 v8, $0x7  }
0x33: {  	v27 =	vld [tilespmem:s19+$0xFFFFFFB0];
	v0 =	vadd.s32 v0, v8;
	v8 =	vshll.u32 v9, $0x7  }
0x34: {  	v28 =	vld [tilespmem:s19+$0xFFFFFFC0];
	v1 =	vadd.s32 v1, v8;
	v8 =	vshll.u32 v10, $0x7  }
0x35: {  	v29 =	vld [tilespmem:s19+$0xFFFFFFD0];
	v2 =	vadd.s32 v2, v8;
	v8 =	vshll.u32 v11, $0x7  }
0x36: {  	v30 =	vld [tilespmem:s19+$0xFFFFFFE0];
	v3 =	vadd.s32 v3, v8;
	v8 =	vshll.u32 v12, $0x7  }
0x37: {  	v31 =	vld [tilespmem:s19+$0xFFFFFFF0];
	v14 =	vshll.u32 v14, $0x7;
	v4 =	vadd.s32 v4, v8  }
0x38: {  	v9 =	vshll.u32 v13, $0x7;
	v6 =	vadd.s32 v6, v14;
	v10 =	vshll.u32 v24, $0x7;
	v8 =	vld.idx.msk [tilespmem:v0+s2+$0x0], $0xffff  }
0x39: {  	v0 =	vadd.s32 v5, v9;
	v5 =	vadd.s32 v16, v10;
	v10 =	vshll.u32 v25, $0x7;
	v9 =	vld.idx.msk [tilespmem:v1+s2+$0x0], $0xffff  }
0x3a: {  	v1 =	vadd.s32 v17, v10;
	v10 =	vshll.u32 v26, $0x7;
	v11 =	vld.idx.msk [tilespmem:v2+s2+$0x0], $0xffff  }
0x3b: {  	v2 =	vadd.s32 v18, v10;
	v10 =	vshll.u32 v27, $0x7;
	v13 =	vld.idx.msk [tilespmem:v3+s2+$0x0], $0xffff  }
0x3c: {  	v14 =	vshll.u32 v15, $0x7;
	v12 =	vshll.u32 v28, $0x7;
	v3 =	vadd.s32 v19, v10;
	v10 =	vld.idx.msk [tilespmem:v4+s2+$0x0], $0xffff  }
0x3d: {  	v4 =	vadd.s32 v20, v12;
	v20 =	vadd.s32 v7, v14;
	v14 =	vld.idx.msk [tilespmem:v6+s2+$0x0], $0xffff  }
0x3e: {  	v16 =	vshll.u32 v29, $0x7;
	v12 =	vld.idx.msk [tilespmem:v0+s2+$0x0], $0xffff  }
0x3f: {  	v5 =	vld.idx.msk [tilespmem:v5+s2+$0x0], $0xffff;
	v0 =	vadd.s32 v21, v16;
	v16 =	vshll.u32 v30, $0x7  }
0x40: {  	v1 =	vld.idx.msk [tilespmem:v1+s2+$0x0], $0xffff;
	v17 =	vadd.s32 v22, v16;
	v16 =	vshll.u32 v31, $0x7  }
0x41: {  	v2 =	vld.idx.msk [tilespmem:v2+s2+$0x0], $0xffff;
	v19 =	vadd.s32 v23, v16  }
0x42: {  	v3 =	vld.idx.msk [tilespmem:v3+s2+$0x0], $0xffff  }
0x43: {  	v16 =	vld.idx.msk [tilespmem:v4+s2+$0x0], $0xffff  }
0x44: {  	v18 =	vld.idx.msk [tilespmem:v0+s2+$0x0], $0xffff;
	v0 =	vimm.f32 $0.0e+00  }
0x45: {  	v17 =	vld.idx.msk [tilespmem:v17+s2+$0x0], $0xffff;
	v4 =	vadd.f32 v5, v0  }
0x46: {  	v5 =	vadd.f32 v1, v0;
	v1 =	vimm.f32 $0.0e+00;
	v15 =	vld.idx.msk [tilespmem:v19+s2+$0x0], $0xffff;
	v6 =	vadd.f32 v2, v0  }
0x47: {  	s20 =	simm.s32 $0x4300;
	s19 =	simm.s32 $0x0;
	v19 =	vld.idx.msk [tilespmem:v20+s2+$0x0], $0xffff;
	v2 =	vimm.f32 $0.0e+00;
	v7 =	vadd.f32 v3, v0;
	v3 =	vimm.f32 $0.0e+00  }
.LBB2_2:
0x48: {  	v20 =	vld [tilespmem:s20+$0x0];
	v4 =	vadd.f32 v8, v4;
	v5 =	vadd.f32 v9, v5  }
0x49: {  	v8 =	vld [tilespmem:s20+$0x10];
	v6 =	vadd.f32 v11, v6;
	v7 =	vadd.f32 v13, v7  }
0x4a: {  	v0 =	vadd.f32 v16, v0;
	v3 =	vadd.f32 v18, v3;
	v9 =	vld [tilespmem:s20+$0x20]  }
0x4b: {  	v2 =	vadd.f32 v17, v2;
	v1 =	vadd.f32 v15, v1;
	v11 =	vld [tilespmem:s20+$0x30]  }
0x4c: {  	v0 =	vadd.f32 v10, v0;
	v3 =	vadd.f32 v12, v3;
	v13 =	vld [tilespmem:s20+$0x40]  }
0x4d: {  	v2 =	vadd.f32 v14, v2;
	v1 =	vadd.f32 v19, v1;
	v10 =	vld [tilespmem:s20+$0x50]  }
0x4e: {  	v14 =	vld [tilespmem:s20+$0x60]  }
0x4f: {  	v15 =	vld [tilespmem:s20+$0x70]  }
0x50: {  	v12 =	vld [tilespmem:s20+$0x80]  }
0x51: {  	v16 =	vld [tilespmem:s20+$0x90]  }
0x52: {  	v17 =	vld [tilespmem:s20+$0xA0]  }
0x53: {  	v18 =	vld [tilespmem:s20+$0xB0]  }
0x54: {  	v19 =	vld [tilespmem:s20+$0xC0]  }
0x55: {  	v21 =	vld [tilespmem:s20+$0xD0]  }
0x56: {  	v22 =	vld [tilespmem:s20+$0xE0]  }
0x57: {  	v23 =	vld [tilespmem:s20+$0xF0]  }
0x58: {  	v24 =	vld [tilespmem:s20+$0xFFFFFF00]  }
0x59: {  	v25 =	vld [tilespmem:s20+$0xFFFFFF10]  }
0x5a: {  	v26 =	vld [tilespmem:s20+$0xFFFFFF20]  }
0x5b: {  	v27 =	vld [tilespmem:s20+$0xFFFFFF30]  }
0x5c: {  	v28 =	vld [tilespmem:s20+$0xFFFFFF40]  }
0x5d: {  	v29 =	vld [tilespmem:s20+$0xFFFFFF50]  }
0x5e: {  	v30 =	vld [tilespmem:s20+$0xFFFFFF60]  }
0x5f: {  	v31 =	vld [tilespmem:s20+$0xFFFFFF70]  }
0x60: {  	v32 =	vld [tilespmem:s20+$0xFFFFFF80]  }
0x61: {  	v33 =	vld [tilespmem:s20+$0xFFFFFF90]  }
0x62: {  	v12 =	vshll.u32 v12, $0x7;
	v34 =	vld [tilespmem:s20+$0xFFFFFFA0]  }
0x63: {  	v12 =	vadd.s32 v20, v12;
	v16 =	vshll.u32 v16, $0x7;
	v35 =	vld [tilespmem:s20+$0xFFFFFFB0]  }
0x64: {  	v16 =	vadd.s32 v8, v16;
	v8 =	vshll.u32 v17, $0x7;
	v20 =	vld [tilespmem:s20+$0xFFFFFFC0]  }
0x65: {  	v36 =	vadd.s32 v9, v8;
	v8 =	vshll.u32 v18, $0x7;
	v17 =	vld [tilespmem:s20+$0xFFFFFFD0]  }
0x66: {  	v37 =	vadd.s32 v11, v8;
	v8 =	vshll.u32 v19, $0x7;
	v18 =	vld [tilespmem:s20+$0xFFFFFFE0]  }
0x67: {  	v38 =	vadd.s32 v13, v8;
	v9 =	vshll.u32 v21, $0x7;
	v19 =	vld [tilespmem:s20+$0xFFFFFFF0]  }
0x68: {  	v11 =	vshll.u32 v32, $0x7;
	v8 =	vld.idx.msk [tilespmem:v12+s2+$0x0], $0xffff;
	v12 =	vadd.s32 v10, v9  }
0x69: {  	v21 =	vadd.s32 v24, v11;
	v10 =	vshll.u32 v33, $0x7;
	v9 =	vld.idx.msk [tilespmem:v16+s2+$0x0], $0xffff  }
0x6a: {  	s19 =	sadd.s32 $0x2, s19;
	v16 =	vadd.s32 v25, v10;
	v10 =	vshll.u32 v34, $0x7;
	v11 =	vld.idx.msk [tilespmem:v36+s2+$0x0], $0xffff  }
0x6b: {  	p0 =	slt.u32 s19, $0x62;
	v24 =	vadd.s32 v26, v10;
	v10 =	vshll.u32 v35, $0x7;
	v13 =	vld.idx.msk [tilespmem:v37+s2+$0x0], $0xffff  }
0x6c: {  	v20 =	vshll.u32 v20, $0x7;
	v25 =	vadd.s32 v27, v10;
	v10 =	vld.idx.msk [tilespmem:v38+s2+$0x0], $0xffff  }
0x6d: {  	v20 =	vadd.s32 v28, v20;
	v17 =	vshll.u32 v17, $0x7;
	v12 =	vld.idx.msk [tilespmem:v12+s2+$0x0], $0xffff  }
0x6e: {  	v17 =	vadd.s32 v29, v17;
	v18 =	vshll.u32 v18, $0x7;
	v21 =	vld.idx.msk [tilespmem:v21+s2+$0x0], $0xffff  }
0x6f: {  	v27 =	vadd.s32 v30, v18;
	v26 =	vld.idx.msk [tilespmem:v16+s2+$0x0], $0xffff;
	v16 =	vshll.u32 v19, $0x7  }
0x70: {  	v19 =	vld.idx.msk [tilespmem:v24+s2+$0x0], $0xffff;
	v24 =	vadd.s32 v31, v16;
	v16 =	vshll.u32 v22, $0x7  }
0x71: {  	v18 =	vshll.u32 v23, $0x7;
	v22 =	vld.idx.msk [tilespmem:v25+s2+$0x0], $0xffff;
	v14 =	vadd.s32 v14, v16  }
0x72: {  	v16 =	vld.idx.msk [tilespmem:v20+s2+$0x0], $0xffff;
	v20 =	vadd.s32 v15, v18  }
.Ltmp0:
0x73: {  	v18 =	vld.idx.msk [tilespmem:v17+s2+$0x0], $0xffff;
	(pc) =	sbr.rel @p0 .LBB2_2-.Ltmp0, $4  }
0x74: {  	v17 =	vld.idx.msk [tilespmem:v27+s2+$0x0], $0xffff  }
0x75: {  	v15 =	vld.idx.msk [tilespmem:v24+s2+$0x0], $0xffff  }
0x76: {  	v4 =	vadd.f32 v21, v4;
	v5 =	vadd.f32 v26, v5;
	v14 =	vld.idx.msk [tilespmem:v14+s2+$0x0], $0xffff  }
0x77: {  	s20 =	sadd.s32 $0x200, s20;
	v6 =	vadd.f32 v19, v6;
	v7 =	vadd.f32 v22, v7;
	v19 =	vld.idx.msk [tilespmem:v20+s2+$0x0], $0xffff  }
0x78: {  	v4 =	vadd.f32 v8, v4  }
0x79: {  	v5 =	vadd.f32 v9, v5  }
0x7a: {  	v0 =	vadd.f32 v16, v0;
	v6 =	vadd.f32 v11, v6;
	[tilespmem:$0x10800] =	vst v4  }
0x7b: {  	v3 =	vadd.f32 v18, v3;
	v4 =	vadd.f32 v13, v7;
	[tilespmem:$0x10810] =	vst v5  }
0x7c: {  	v2 =	vadd.f32 v17, v2;
	v0 =	vadd.f32 v10, v0;
	[tilespmem:$0x10820] =	vst v6  }
0x7d: {  	v1 =	vadd.f32 v15, v1;
	v3 =	vadd.f32 v12, v3;
	[tilespmem:$0x10830] =	vst v4  }
0x7e: {  	v2 =	vadd.f32 v14, v2;
	[tilespmem:$0x10840] =	vst v0  }
0x7f: {  	v0 =	vadd.f32 v19, v1;
	[tilespmem:$0x10850] =	vst v3  }
0x80: {  	[tilespmem:$0x10860] =	vst v2  }
0x81: {  	[tilespmem:$0x10870] =	vst v0  }
0x82: {  	[tilespmem:s13], [sflag:$0x1] =	stream.strided.gather [hbm4b:s6+s11], $0x6400, s12, s11, $0x38;
	[tilespmem:$0x10A00] =	vst v63  }
0x83: {  	_ =	swait.ge [sflag:s16], $0x6400  }
0x84: {  	[sflag:s16] =	ssyncset.done $0x0  }
0x85: {  	s19 =	simm.s32 $0xA500;
	[sflag:s16] =	ssyncadd.s32 $0xFFFF9C00  }
0x86: {  	v0 =	vld [tilespmem:s19+$0x0]  }
0x87: {  	v1 =	vld [tilespmem:s19+$0x10]  }
0x88: {  	v2 =	vld [tilespmem:s19+$0x20]  }
0x89: {  	v3 =	vld [tilespmem:s19+$0x30]  }
0x8a: {  	v4 =	vld [tilespmem:s19+$0x40]  }
0x8b: {  	v5 =	vld [tilespmem:s19+$0x50]  }
0x8c: {  	v6 =	vld [tilespmem:s19+$0x60]  }
0x8d: {  	v7 =	vld [tilespmem:s19+$0x70]  }
0x8e: {  	v8 =	vld [tilespmem:s19+$0x80]  }
0x8f: {  	v9 =	vld [tilespmem:s19+$0x90]  }
0x90: {  	v10 =	vld [tilespmem:s19+$0xA0]  }
0x91: {  	v11 =	vld [tilespmem:s19+$0xB0]  }
0x92: {  	v12 =	vld [tilespmem:s19+$0xC0]  }
0x93: {  	v13 =	vld [tilespmem:s19+$0xD0]  }
0x94: {  	v14 =	vld [tilespmem:s19+$0xE0]  }
0x95: {  	v15 =	vld [tilespmem:s19+$0xF0]  }
0x96: {  	v16 =	vld [tilespmem:s19+$0xFFFFFF00]  }
0x97: {  	v17 =	vld [tilespmem:s19+$0xFFFFFF10]  }
0x98: {  	v18 =	vld [tilespmem:s19+$0xFFFFFF20]  }
0x99: {  	v19 =	vld [tilespmem:s19+$0xFFFFFF30]  }
0x9a: {  	v20 =	vld [tilespmem:s19+$0xFFFFFF40]  }
0x9b: {  	v21 =	vld [tilespmem:s19+$0xFFFFFF50]  }
0x9c: {  	v22 =	vld [tilespmem:s19+$0xFFFFFF60]  }
0x9d: {  	v23 =	vld [tilespmem:s19+$0xFFFFFF70]  }
0x9e: {  	v24 =	vld [tilespmem:s19+$0xFFFFFF80]  }
0x9f: {  	v25 =	vld [tilespmem:s19+$0xFFFFFF90]  }
0xa0: {  	v26 =	vld [tilespmem:s19+$0xFFFFFFA0];
	v8 =	vshll.u32 v8, $0x7  }
0xa1: {  	v27 =	vld [tilespmem:s19+$0xFFFFFFB0];
	v0 =	vadd.s32 v0, v8;
	v8 =	vshll.u32 v9, $0x7  }
0xa2: {  	v28 =	vld [tilespmem:s19+$0xFFFFFFC0];
	v1 =	vadd.s32 v1, v8;
	v8 =	vshll.u32 v10, $0x7  }
0xa3: {  	v29 =	vld [tilespmem:s19+$0xFFFFFFD0];
	v2 =	vadd.s32 v2, v8;
	v8 =	vshll.u32 v11, $0x7  }
0xa4: {  	v30 =	vld [tilespmem:s19+$0xFFFFFFE0];
	v3 =	vadd.s32 v3, v8;
	v8 =	vshll.u32 v12, $0x7  }
0xa5: {  	v31 =	vld [tilespmem:s19+$0xFFFFFFF0];
	v14 =	vshll.u32 v14, $0x7;
	v4 =	vadd.s32 v4, v8  }
0xa6: {  	v9 =	vshll.u32 v13, $0x7;
	v6 =	vadd.s32 v6, v14;
	v10 =	vshll.u32 v24, $0x7;
	v8 =	vld.idx.msk [tilespmem:v0+s2+$0x0], $0xffff  }
0xa7: {  	v0 =	vadd.s32 v5, v9;
	v5 =	vadd.s32 v16, v10;
	v10 =	vshll.u32 v25, $0x7;
	v9 =	vld.idx.msk [tilespmem:v1+s2+$0x0], $0xffff  }
0xa8: {  	v1 =	vadd.s32 v17, v10;
	v10 =	vshll.u32 v26, $0x7;
	v11 =	vld.idx.msk [tilespmem:v2+s2+$0x0], $0xffff  }
0xa9: {  	v2 =	vadd.s32 v18, v10;
	v10 =	vshll.u32 v27, $0x7;
	v13 =	vld.idx.msk [tilespmem:v3+s2+$0x0], $0xffff  }
0xaa: {  	v14 =	vshll.u32 v15, $0x7;
	v12 =	vshll.u32 v28, $0x7;
	v3 =	vadd.s32 v19, v10;
	v10 =	vld.idx.msk [tilespmem:v4+s2+$0x0], $0xffff  }
0xab: {  	v4 =	vadd.s32 v20, v12;
	v20 =	vadd.s32 v7, v14;
	v14 =	vld.idx.msk [tilespmem:v6+s2+$0x0], $0xffff  }
0xac: {  	v16 =	vshll.u32 v29, $0x7;
	v12 =	vld.idx.msk [tilespmem:v0+s2+$0x0], $0xffff  }
0xad: {  	v5 =	vld.idx.msk [tilespmem:v5+s2+$0x0], $0xffff;
	v0 =	vadd.s32 v21, v16;
	v16 =	vshll.u32 v30, $0x7  }
0xae: {  	v1 =	vld.idx.msk [tilespmem:v1+s2+$0x0], $0xffff;
	v17 =	vadd.s32 v22, v16;
	v16 =	vshll.u32 v31, $0x7  }
0xaf: {  	v2 =	vld.idx.msk [tilespmem:v2+s2+$0x0], $0xffff;
	v19 =	vadd.s32 v23, v16  }
0xb0: {  	v3 =	vld.idx.msk [tilespmem:v3+s2+$0x0], $0xffff  }
0xb1: {  	v16 =	vld.idx.msk [tilespmem:v4+s2+$0x0], $0xffff  }
0xb2: {  	v18 =	vld.idx.msk [tilespmem:v0+s2+$0x0], $0xffff;
	v0 =	vimm.f32 $0.0e+00  }
0xb3: {  	v17 =	vld.idx.msk [tilespmem:v17+s2+$0x0], $0xffff;
	v4 =	vadd.f32 v5, v0  }
0xb4: {  	v5 =	vadd.f32 v1, v0;
	v1 =	vimm.f32 $0.0e+00;
	v15 =	vld.idx.msk [tilespmem:v19+s2+$0x0], $0xffff;
	v6 =	vadd.f32 v2, v0  }
0xb5: {  	s20 =	simm.s32 $0xA700;
	s19 =	simm.s32 $0x0;
	v19 =	vld.idx.msk [tilespmem:v20+s2+$0x0], $0xffff;
	v2 =	vimm.f32 $0.0e+00;
	v7 =	vadd.f32 v3, v0;
	v3 =	vimm.f32 $0.0e+00  }
.LBB2_4:
0xb6: {  	v20 =	vld [tilespmem:s20+$0x0];
	v4 =	vadd.f32 v8, v4;
	v5 =	vadd.f32 v9, v5  }
0xb7: {  	v8 =	vld [tilespmem:s20+$0x10];
	v6 =	vadd.f32 v11, v6;
	v7 =	vadd.f32 v13, v7  }
0xb8: {  	v0 =	vadd.f32 v16, v0;
	v3 =	vadd.f32 v18, v3;
	v9 =	vld [tilespmem:s20+$0x20]  }
0xb9: {  	v2 =	vadd.f32 v17, v2;
	v1 =	vadd.f32 v15, v1;
	v11 =	vld [tilespmem:s20+$0x30]  }
0xba: {  	v0 =	vadd.f32 v10, v0;
	v3 =	vadd.f32 v12, v3;
	v13 =	vld [tilespmem:s20+$0x40]  }
0xbb: {  	v2 =	vadd.f32 v14, v2;
	v1 =	vadd.f32 v19, v1;
	v10 =	vld [tilespmem:s20+$0x50]  }
0xbc: {  	v14 =	vld [tilespmem:s20+$0x60]  }
0xbd: {  	v15 =	vld [tilespmem:s20+$0x70]  }
0xbe: {  	v12 =	vld [tilespmem:s20+$0x80]  }
0xbf: {  	v16 =	vld [tilespmem:s20+$0x90]  }
0xc0: {  	v17 =	vld [tilespmem:s20+$0xA0]  }
0xc1: {  	v18 =	vld [tilespmem:s20+$0xB0]  }
0xc2: {  	v19 =	vld [tilespmem:s20+$0xC0]  }
0xc3: {  	v21 =	vld [tilespmem:s20+$0xD0]  }
0xc4: {  	v22 =	vld [tilespmem:s20+$0xE0]  }
0xc5: {  	v23 =	vld [tilespmem:s20+$0xF0]  }
0xc6: {  	v24 =	vld [tilespmem:s20+$0xFFFFFF00]  }
0xc7: {  	v25 =	vld [tilespmem:s20+$0xFFFFFF10]  }
0xc8: {  	v26 =	vld [tilespmem:s20+$0xFFFFFF20]  }
0xc9: {  	v27 =	vld [tilespmem:s20+$0xFFFFFF30]  }
0xca: {  	v28 =	vld [tilespmem:s20+$0xFFFFFF40]  }
0xcb: {  	v29 =	vld [tilespmem:s20+$0xFFFFFF50]  }
0xcc: {  	v30 =	vld [tilespmem:s20+$0xFFFFFF60]  }
0xcd: {  	v31 =	vld [tilespmem:s20+$0xFFFFFF70]  }
0xce: {  	v32 =	vld [tilespmem:s20+$0xFFFFFF80]  }
0xcf: {  	v33 =	vld [tilespmem:s20+$0xFFFFFF90]  }
0xd0: {  	v12 =	vshll.u32 v12, $0x7;
	v34 =	vld [tilespmem:s20+$0xFFFFFFA0]  }
0xd1: {  	v12 =	vadd.s32 v20, v12;
	v16 =	vshll.u32 v16, $0x7;
	v35 =	vld [tilespmem:s20+$0xFFFFFFB0]  }
0xd2: {  	v16 =	vadd.s32 v8, v16;
	v8 =	vshll.u32 v17, $0x7;
	v20 =	vld [tilespmem:s20+$0xFFFFFFC0]  }
0xd3: {  	v36 =	vadd.s32 v9, v8;
	v8 =	vshll.u32 v18, $0x7;
	v17 =	vld [tilespmem:s20+$0xFFFFFFD0]  }
0xd4: {  	v37 =	vadd.s32 v11, v8;
	v8 =	vshll.u32 v19, $0x7;
	v18 =	vld [tilespmem:s20+$0xFFFFFFE0]  }
0xd5: {  	v38 =	vadd.s32 v13, v8;
	v9 =	vshll.u32 v21, $0x7;
	v19 =	vld [tilespmem:s20+$0xFFFFFFF0]  }
0xd6: {  	v11 =	vshll.u32 v32, $0x7;
	v8 =	vld.idx.msk [tilespmem:v12+s2+$0x0], $0xffff;
	v12 =	vadd.s32 v10, v9  }
0xd7: {  	v21 =	vadd.s32 v24, v11;
	v10 =	vshll.u32 v33, $0x7;
	v9 =	vld.idx.msk [tilespmem:v16+s2+$0x0], $0xffff  }
0xd8: {  	s19 =	sadd.s32 $0x2, s19;
	v16 =	vadd.s32 v25, v10;
	v10 =	vshll.u32 v34, $0x7;
	v11 =	vld.idx.msk [tilespmem:v36+s2+$0x0], $0xffff  }
0xd9: {  	p0 =	slt.u32 s19, $0x62;
	v24 =	vadd.s32 v26, v10;
	v10 =	vshll.u32 v35, $0x7;
	v13 =	vld.idx.msk [tilespmem:v37+s2+$0x0], $0xffff  }
0xda: {  	v20 =	vshll.u32 v20, $0x7;
	v25 =	vadd.s32 v27, v10;
	v10 =	vld.idx.msk [tilespmem:v38+s2+$0x0], $0xffff  }
0xdb: {  	v20 =	vadd.s32 v28, v20;
	v17 =	vshll.u32 v17, $0x7;
	v12 =	vld.idx.msk [tilespmem:v12+s2+$0x0], $0xffff  }
0xdc: {  	v17 =	vadd.s32 v29, v17;
	v18 =	vshll.u32 v18, $0x7;
	v21 =	vld.idx.msk [tilespmem:v21+s2+$0x0], $0xffff  }
0xdd: {  	v27 =	vadd.s32 v30, v18;
	v26 =	vld.idx.msk [tilespmem:v16+s2+$0x0], $0xffff;
	v16 =	vshll.u32 v19, $0x7  }
0xde: {  	v19 =	vld.idx.msk [tilespmem:v24+s2+$0x0], $0xffff;
	v24 =	vadd.s32 v31, v16;
	v16 =	vshll.u32 v22, $0x7  }
0xdf: {  	v18 =	vshll.u32 v23, $0x7;
	v22 =	vld.idx.msk [tilespmem:v25+s2+$0x0], $0xffff;
	v14 =	vadd.s32 v14, v16  }
0xe0: {  	v16 =	vld.idx.msk [tilespmem:v20+s2+$0x0], $0xffff;
	v20 =	vadd.s32 v15, v18  }
.Ltmp1:
0xe1: {  	v18 =	vld.idx.msk [tilespmem:v17+s2+$0x0], $0xffff;
	(pc) =	sbr.rel @p0 .LBB2_4-.Ltmp1, $4  }
0xe2: {  	v17 =	vld.idx.msk [tilespmem:v27+s2+$0x0], $0xffff  }
0xe3: {  	v15 =	vld.idx.msk [tilespmem:v24+s2+$0x0], $0xffff  }
0xe4: {  	v4 =	vadd.f32 v21, v4;
	v5 =	vadd.f32 v26, v5;
	v14 =	vld.idx.msk [tilespmem:v14+s2+$0x0], $0xffff  }
0xe5: {  	s20 =	sadd.s32 $0x200, s20;
	v6 =	vadd.f32 v19, v6;
	v7 =	vadd.f32 v22, v7;
	v19 =	vld.idx.msk [tilespmem:v20+s2+$0x0], $0xffff  }
0xe6: {  	v4 =	vadd.f32 v8, v4  }
0xe7: {  	v5 =	vadd.f32 v9, v5  }
0xe8: {  	v0 =	vadd.f32 v16, v0;
	v6 =	vadd.f32 v11, v6;
	[tilespmem:$0x10880] =	vst v4  }
0xe9: {  	v3 =	vadd.f32 v18, v3;
	v4 =	vadd.f32 v13, v7;
	[tilespmem:$0x10890] =	vst v5  }
0xea: {  	v2 =	vadd.f32 v17, v2;
	v0 =	vadd.f32 v10, v0;
	[tilespmem:$0x108A0] =	vst v6  }
0xeb: {  	v1 =	vadd.f32 v15, v1;
	v3 =	vadd.f32 v12, v3;
	[tilespmem:$0x108B0] =	vst v4  }
0xec: {  	v2 =	vadd.f32 v14, v2;
	[tilespmem:$0x108C0] =	vst v0  }
0xed: {  	v0 =	vadd.f32 v19, v1;
	[tilespmem:$0x108D0] =	vst v3  }
0xee: {  	[tilespmem:$0x108E0] =	vst v2  }
0xef: {  	[tilespmem:$0x108F0] =	vst v0  }
0xf0: {  	[tilespmem:s14], [sflag:$0x2] =	stream.strided.gather [hbm4b:s7+s11], $0x6400, s12, s11, $0x38;
	[tilespmem:$0x10A00] =	vst v63  }
0xf1: {  	_ =	swait.ge [sflag:s15], $0x6400  }
0xf2: {  	[sflag:s15] =	ssyncset.done $0x0  }
0xf3: {  	s19 =	simm.s32 $0x4100;
	[sflag:s15] =	ssyncadd.s32 $0xFFFF9C00  }
0xf4: {  	v0 =	vld [tilespmem:s19+$0x0]  }
0xf5: {  	v1 =	vld [tilespmem:s19+$0x10]  }
0xf6: {  	v2 =	vld [tilespmem:s19+$0x20]  }
0xf7: {  	v3 =	vld [tilespmem:s19+$0x30]  }
0xf8: {  	v4 =	vld [tilespmem:s19+$0x40]  }
0xf9: {  	v5 =	vld [tilespmem:s19+$0x50]  }
0xfa: {  	v6 =	vld [tilespmem:s19+$0x60]  }
0xfb: {  	v7 =	vld [tilespmem:s19+$0x70]  }
0xfc: {  	v8 =	vld [tilespmem:s19+$0x80]  }
0xfd: {  	v9 =	vld [tilespmem:s19+$0x90]  }
0xfe: {  	v10 =	vld [tilespmem:s19+$0xA0]  }
0xff: {  	v11 =	vld [tilespmem:s19+$0xB0]  }
0x100: {  	v12 =	vld [tilespmem:s19+$0xC0]  }
0x101: {  	v13 =	vld [tilespmem:s19+$0xD0]  }
0x102: {  	v14 =	vld [tilespmem:s19+$0xE0]  }
0x103: {  	v15 =	vld [tilespmem:s19+$0xF0]  }
0x104: {  	v16 =	vld [tilespmem:s19+$0xFFFFFF00]  }
0x105: {  	v17 =	vld [tilespmem:s19+$0xFFFFFF10]  }
0x106: {  	v18 =	vld [tilespmem:s19+$0xFFFFFF20]  }
0x107: {  	v19 =	vld [tilespmem:s19+$0xFFFFFF30]  }
0x108: {  	v20 =	vld [tilespmem:s19+$0xFFFFFF40]  }
0x109: {  	v21 =	vld [tilespmem:s19+$0xFFFFFF50]  }
0x10a: {  	v22 =	vld [tilespmem:s19+$0xFFFFFF60]  }
0x10b: {  	v23 =	vld [tilespmem:s19+$0xFFFFFF70]  }
0x10c: {  	v24 =	vld [tilespmem:s19+$0xFFFFFF80]  }
0x10d: {  	v25 =	vld [tilespmem:s19+$0xFFFFFF90]  }
0x10e: {  	v26 =	vld [tilespmem:s19+$0xFFFFFFA0];
	v8 =	vshll.u32 v8, $0x7  }
0x10f: {  	v27 =	vld [tilespmem:s19+$0xFFFFFFB0];
	v0 =	vadd.s32 v0, v8;
	v8 =	vshll.u32 v9, $0x7  }
0x110: {  	v28 =	vld [tilespmem:s19+$0xFFFFFFC0];
	v1 =	vadd.s32 v1, v8;
	v8 =	vshll.u32 v10, $0x7  }
0x111: {  	v29 =	vld [tilespmem:s19+$0xFFFFFFD0];
	v2 =	vadd.s32 v2, v8;
	v8 =	vshll.u32 v11, $0x7  }
0x112: {  	v30 =	vld [tilespmem:s19+$0xFFFFFFE0];
	v3 =	vadd.s32 v3, v8;
	v8 =	vshll.u32 v12, $0x7  }
0x113: {  	v31 =	vld [tilespmem:s19+$0xFFFFFFF0];
	v14 =	vshll.u32 v14, $0x7;
	v4 =	vadd.s32 v4, v8  }
0x114: {  	v9 =	vshll.u32 v13, $0x7;
	v6 =	vadd.s32 v6, v14;
	v10 =	vshll.u32 v24, $0x7;
	v8 =	vld.idx.msk [tilespmem:v0+s2+$0x0], $0xffff  }
0x115: {  	v0 =	vadd.s32 v5, v9;
	v5 =	vadd.s32 v16, v10;
	v10 =	vshll.u32 v25, $0x7;
	v9 =	vld.idx.msk [tilespmem:v1+s2+$0x0], $0xffff  }
0x116: {  	v1 =	vadd.s32 v17, v10;
	v10 =	vshll.u32 v26, $0x7;
	v11 =	vld.idx.msk [tilespmem:v2+s2+$0x0], $0xffff  }
0x117: {  	v2 =	vadd.s32 v18, v10;
	v10 =	vshll.u32 v27, $0x7;
	v13 =	vld.idx.msk [tilespmem:v3+s2+$0x0], $0xffff  }
0x118: {  	v14 =	vshll.u32 v15, $0x7;
	v12 =	vshll.u32 v28, $0x7;
	v3 =	vadd.s32 v19, v10;
	v10 =	vld.idx.msk [tilespmem:v4+s2+$0x0], $0xffff  }
0x119: {  	v4 =	vadd.s32 v20, v12;
	v20 =	vadd.s32 v7, v14;
	v14 =	vld.idx.msk [tilespmem:v6+s2+$0x0], $0xffff  }
0x11a: {  	v16 =	vshll.u32 v29, $0x7;
	v12 =	vld.idx.msk [tilespmem:v0+s2+$0x0], $0xffff  }
0x11b: {  	v5 =	vld.idx.msk [tilespmem:v5+s2+$0x0], $0xffff;
	v0 =	vadd.s32 v21, v16;
	v16 =	vshll.u32 v30, $0x7  }
0x11c: {  	v1 =	vld.idx.msk [tilespmem:v1+s2+$0x0], $0xffff;
	v17 =	vadd.s32 v22, v16;
	v16 =	vshll.u32 v31, $0x7  }
0x11d: {  	v2 =	vld.idx.msk [tilespmem:v2+s2+$0x0], $0xffff;
	v19 =	vadd.s32 v23, v16  }
0x11e: {  	v3 =	vld.idx.msk [tilespmem:v3+s2+$0x0], $0xffff  }
0x11f: {  	v16 =	vld.idx.msk [tilespmem:v4+s2+$0x0], $0xffff  }
0x120: {  	v18 =	vld.idx.msk [tilespmem:v0+s2+$0x0], $0xffff;
	v0 =	vimm.f32 $0.0e+00  }
0x121: {  	v17 =	vld.idx.msk [tilespmem:v17+s2+$0x0], $0xffff;
	v4 =	vadd.f32 v5, v0  }
0x122: {  	v5 =	vadd.f32 v1, v0;
	v1 =	vimm.f32 $0.0e+00;
	v15 =	vld.idx.msk [tilespmem:v19+s2+$0x0], $0xffff;
	v6 =	vadd.f32 v2, v0  }
0x123: {  	s20 =	simm.s32 $0x4300;
	s19 =	simm.s32 $0x0;
	v19 =	vld.idx.msk [tilespmem:v20+s2+$0x0], $0xffff;
	v2 =	vimm.f32 $0.0e+00;
	v7 =	vadd.f32 v3, v0;
	v3 =	vimm.f32 $0.0e+00  }
.LBB2_6:
0x124: {  	v20 =	vld [tilespmem:s20+$0x0];
	v4 =	vadd.f32 v8, v4;
	v5 =	vadd.f32 v9, v5  }
0x125: {  	v8 =	vld [tilespmem:s20+$0x10];
	v6 =	vadd.f32 v11, v6;
	v7 =	vadd.f32 v13, v7  }
0x126: {  	v0 =	vadd.f32 v16, v0;
	v3 =	vadd.f32 v18, v3;
	v9 =	vld [tilespmem:s20+$0x20]  }
0x127: {  	v2 =	vadd.f32 v17, v2;
	v1 =	vadd.f32 v15, v1;
	v11 =	vld [tilespmem:s20+$0x30]  }
0x128: {  	v0 =	vadd.f32 v10, v0;
	v3 =	vadd.f32 v12, v3;
	v13 =	vld [tilespmem:s20+$0x40]  }
0x129: {  	v2 =	vadd.f32 v14, v2;
	v1 =	vadd.f32 v19, v1;
	v10 =	vld [tilespmem:s20+$0x50]  }
0x12a: {  	v14 =	vld [tilespmem:s20+$0x60]  }
0x12b: {  	v15 =	vld [tilespmem:s20+$0x70]  }
0x12c: {  	v12 =	vld [tilespmem:s20+$0x80]  }
0x12d: {  	v16 =	vld [tilespmem:s20+$0x90]  }
0x12e: {  	v17 =	vld [tilespmem:s20+$0xA0]  }
0x12f: {  	v18 =	vld [tilespmem:s20+$0xB0]  }
0x130: {  	v19 =	vld [tilespmem:s20+$0xC0]  }
0x131: {  	v21 =	vld [tilespmem:s20+$0xD0]  }
0x132: {  	v22 =	vld [tilespmem:s20+$0xE0]  }
0x133: {  	v23 =	vld [tilespmem:s20+$0xF0]  }
0x134: {  	v24 =	vld [tilespmem:s20+$0xFFFFFF00]  }
0x135: {  	v25 =	vld [tilespmem:s20+$0xFFFFFF10]  }
0x136: {  	v26 =	vld [tilespmem:s20+$0xFFFFFF20]  }
0x137: {  	v27 =	vld [tilespmem:s20+$0xFFFFFF30]  }
0x138: {  	v28 =	vld [tilespmem:s20+$0xFFFFFF40]  }
0x139: {  	v29 =	vld [tilespmem:s20+$0xFFFFFF50]  }
0x13a: {  	v30 =	vld [tilespmem:s20+$0xFFFFFF60]  }
0x13b: {  	v31 =	vld [tilespmem:s20+$0xFFFFFF70]  }
0x13c: {  	v32 =	vld [tilespmem:s20+$0xFFFFFF80]  }
0x13d: {  	v33 =	vld [tilespmem:s20+$0xFFFFFF90]  }
0x13e: {  	v12 =	vshll.u32 v12, $0x7;
	v34 =	vld [tilespmem:s20+$0xFFFFFFA0]  }
0x13f: {  	v12 =	vadd.s32 v20, v12;
	v16 =	vshll.u32 v16, $0x7;
	v35 =	vld [tilespmem:s20+$0xFFFFFFB0]  }
0x140: {  	v16 =	vadd.s32 v8, v16;
	v8 =	vshll.u32 v17, $0x7;
	v20 =	vld [tilespmem:s20+$0xFFFFFFC0]  }
0x141: {  	v36 =	vadd.s32 v9, v8;
	v8 =	vshll.u32 v18, $0x7;
	v17 =	vld [tilespmem:s20+$0xFFFFFFD0]  }
0x142: {  	v37 =	vadd.s32 v11, v8;
	v8 =	vshll.u32 v19, $0x7;
	v18 =	vld [tilespmem:s20+$0xFFFFFFE0]  }
0x143: {  	v38 =	vadd.s32 v13, v8;
	v9 =	vshll.u32 v21, $0x7;
	v19 =	vld [tilespmem:s20+$0xFFFFFFF0]  }
0x144: {  	v11 =	vshll.u32 v32, $0x7;
	v8 =	vld.idx.msk [tilespmem:v12+s2+$0x0], $0xffff;
	v12 =	vadd.s32 v10, v9  }
0x145: {  	v21 =	vadd.s32 v24, v11;
	v10 =	vshll.u32 v33, $0x7;
	v9 =	vld.idx.msk [tilespmem:v16+s2+$0x0], $0xffff  }
0x146: {  	s19 =	sadd.s32 $0x2, s19;
	v16 =	vadd.s32 v25, v10;
	v10 =	vshll.u32 v34, $0x7;
	v11 =	vld.idx.msk [tilespmem:v36+s2+$0x0], $0xffff  }
0x147: {  	p0 =	slt.u32 s19, $0x62;
	v24 =	vadd.s32 v26, v10;
	v10 =	vshll.u32 v35, $0x7;
	v13 =	vld.idx.msk [tilespmem:v37+s2+$0x0], $0xffff  }
0x148: {  	v20 =	vshll.u32 v20, $0x7;
	v25 =	vadd.s32 v27, v10;
	v10 =	vld.idx.msk [tilespmem:v38+s2+$0x0], $0xffff  }
0x149: {  	v20 =	vadd.s32 v28, v20;
	v17 =	vshll.u32 v17, $0x7;
	v12 =	vld.idx.msk [tilespmem:v12+s2+$0x0], $0xffff  }
0x14a: {  	v17 =	vadd.s32 v29, v17;
	v18 =	vshll.u32 v18, $0x7;
	v21 =	vld.idx.msk [tilespmem:v21+s2+$0x0], $0xffff  }
0x14b: {  	v27 =	vadd.s32 v30, v18;
	v26 =	vld.idx.msk [tilespmem:v16+s2+$0x0], $0xffff;
	v16 =	vshll.u32 v19, $0x7  }
0x14c: {  	v19 =	vld.idx.msk [tilespmem:v24+s2+$0x0], $0xffff;
	v24 =	vadd.s32 v31, v16;
	v16 =	vshll.u32 v22, $0x7  }
0x14d: {  	v18 =	vshll.u32 v23, $0x7;
	v22 =	vld.idx.msk [tilespmem:v25+s2+$0x0], $0xffff;
	v14 =	vadd.s32 v14, v16  }
0x14e: {  	v16 =	vld.idx.msk [tilespmem:v20+s2+$0x0], $0xffff;
	v20 =	vadd.s32 v15, v18  }
.Ltmp2:
0x14f: {  	v18 =	vld.idx.msk [tilespmem:v17+s2+$0x0], $0xffff;
	(pc) =	sbr.rel @p0 .LBB2_6-.Ltmp2, $4  }
0x150: {  	v17 =	vld.idx.msk [tilespmem:v27+s2+$0x0], $0xffff  }
0x151: {  	v15 =	vld.idx.msk [tilespmem:v24+s2+$0x0], $0xffff  }
0x152: {  	v4 =	vadd.f32 v21, v4;
	v5 =	vadd.f32 v26, v5;
	v14 =	vld.idx.msk [tilespmem:v14+s2+$0x0], $0xffff  }
0x153: {  	s20 =	sadd.s32 $0x200, s20;
	v6 =	vadd.f32 v19, v6;
	v7 =	vadd.f32 v22, v7;
	v19 =	vld.idx.msk [tilespmem:v20+s2+$0x0], $0xffff  }
0x154: {  	v4 =	vadd.f32 v8, v4  }
0x155: {  	v5 =	vadd.f32 v9, v5  }
0x156: {  	v0 =	vadd.f32 v16, v0;
	v6 =	vadd.f32 v11, v6;
	[tilespmem:$0x10900] =	vst v4  }
0x157: {  	v3 =	vadd.f32 v18, v3;
	v4 =	vadd.f32 v13, v7;
	[tilespmem:$0x10910] =	vst v5  }
0x158: {  	v2 =	vadd.f32 v17, v2;
	v0 =	vadd.f32 v10, v0;
	[tilespmem:$0x10920] =	vst v6  }
0x159: {  	v1 =	vadd.f32 v15, v1;
	v3 =	vadd.f32 v12, v3;
	[tilespmem:$0x10930] =	vst v4  }
0x15a: {  	v2 =	vadd.f32 v14, v2;
	[tilespmem:$0x10940] =	vst v0  }
0x15b: {  	v0 =	vadd.f32 v19, v1;
	[tilespmem:$0x10950] =	vst v3  }
0x15c: {  	[tilespmem:$0x10960] =	vst v2  }
0x15d: {  	[tilespmem:$0x10970] =	vst v0  }
0x15e: {  	_ =	swait.ge [sflag:s16], $0x6400  }
0x15f: {  	[sflag:s16] =	ssyncset.done $0x0  }
0x160: {  	s19 =	simm.s32 $0xA500;
	[sflag:s16] =	ssyncadd.s32 $0xFFFF9C00  }
0x161: {  	v0 =	vld [tilespmem:s19+$0x0]  }
0x162: {  	v1 =	vld [tilespmem:s19+$0x10]  }
0x163: {  	v2 =	vld [tilespmem:s19+$0x20]  }
0x164: {  	v3 =	vld [tilespmem:s19+$0x30]  }
0x165: {  	v4 =	vld [tilespmem:s19+$0x40]  }
0x166: {  	v5 =	vld [tilespmem:s19+$0x50]  }
0x167: {  	v6 =	vld [tilespmem:s19+$0x60]  }
0x168: {  	v7 =	vld [tilespmem:s19+$0x70]  }
0x169: {  	v8 =	vld [tilespmem:s19+$0x80]  }
0x16a: {  	v9 =	vld [tilespmem:s19+$0x90]  }
0x16b: {  	v10 =	vld [tilespmem:s19+$0xA0]  }
0x16c: {  	v11 =	vld [tilespmem:s19+$0xB0]  }
0x16d: {  	v12 =	vld [tilespmem:s19+$0xC0]  }
0x16e: {  	v13 =	vld [tilespmem:s19+$0xD0]  }
0x16f: {  	v14 =	vld [tilespmem:s19+$0xE0]  }
0x170: {  	v15 =	vld [tilespmem:s19+$0xF0]  }
0x171: {  	v16 =	vld [tilespmem:s19+$0xFFFFFF00]  }
0x172: {  	v17 =	vld [tilespmem:s19+$0xFFFFFF10]  }
0x173: {  	v18 =	vld [tilespmem:s19+$0xFFFFFF20]  }
0x174: {  	v19 =	vld [tilespmem:s19+$0xFFFFFF30]  }
0x175: {  	v20 =	vld [tilespmem:s19+$0xFFFFFF40]  }
0x176: {  	v21 =	vld [tilespmem:s19+$0xFFFFFF50]  }
0x177: {  	v22 =	vld [tilespmem:s19+$0xFFFFFF60]  }
0x178: {  	v23 =	vld [tilespmem:s19+$0xFFFFFF70]  }
0x179: {  	v24 =	vld [tilespmem:s19+$0xFFFFFF80]  }
0x17a: {  	v25 =	vld [tilespmem:s19+$0xFFFFFF90]  }
0x17b: {  	v26 =	vld [tilespmem:s19+$0xFFFFFFA0];
	v8 =	vshll.u32 v8, $0x7  }
0x17c: {  	v27 =	vld [tilespmem:s19+$0xFFFFFFB0];
	v0 =	vadd.s32 v0, v8;
	v8 =	vshll.u32 v9, $0x7  }
0x17d: {  	v28 =	vld [tilespmem:s19+$0xFFFFFFC0];
	v1 =	vadd.s32 v1, v8;
	v8 =	vshll.u32 v10, $0x7  }
0x17e: {  	v29 =	vld [tilespmem:s19+$0xFFFFFFD0];
	v2 =	vadd.s32 v2, v8;
	v8 =	vshll.u32 v11, $0x7  }
0x17f: {  	v30 =	vld [tilespmem:s19+$0xFFFFFFE0];
	v3 =	vadd.s32 v3, v8;
	v8 =	vshll.u32 v12, $0x7  }
0x180: {  	v31 =	vld [tilespmem:s19+$0xFFFFFFF0];
	v14 =	vshll.u32 v14, $0x7;
	v4 =	vadd.s32 v4, v8  }
0x181: {  	v9 =	vshll.u32 v13, $0x7;
	v6 =	vadd.s32 v6, v14;
	v10 =	vshll.u32 v24, $0x7;
	v8 =	vld.idx.msk [tilespmem:v0+s2+$0x0], $0xffff  }
0x182: {  	v0 =	vadd.s32 v5, v9;
	v5 =	vadd.s32 v16, v10;
	v10 =	vshll.u32 v25, $0x7;
	v9 =	vld.idx.msk [tilespmem:v1+s2+$0x0], $0xffff  }
0x183: {  	v1 =	vadd.s32 v17, v10;
	v10 =	vshll.u32 v26, $0x7;
	v11 =	vld.idx.msk [tilespmem:v2+s2+$0x0], $0xffff  }
0x184: {  	v2 =	vadd.s32 v18, v10;
	v10 =	vshll.u32 v27, $0x7;
	v13 =	vld.idx.msk [tilespmem:v3+s2+$0x0], $0xffff  }
0x185: {  	v14 =	vshll.u32 v15, $0x7;
	v12 =	vshll.u32 v28, $0x7;
	v3 =	vadd.s32 v19, v10;
	v10 =	vld.idx.msk [tilespmem:v4+s2+$0x0], $0xffff  }
0x186: {  	v4 =	vadd.s32 v20, v12;
	v20 =	vadd.s32 v7, v14;
	v14 =	vld.idx.msk [tilespmem:v6+s2+$0x0], $0xffff  }
0x187: {  	v16 =	vshll.u32 v29, $0x7;
	v12 =	vld.idx.msk [tilespmem:v0+s2+$0x0], $0xffff  }
0x188: {  	v5 =	vld.idx.msk [tilespmem:v5+s2+$0x0], $0xffff;
	v0 =	vadd.s32 v21, v16;
	v16 =	vshll.u32 v30, $0x7  }
0x189: {  	v1 =	vld.idx.msk [tilespmem:v1+s2+$0x0], $0xffff;
	v17 =	vadd.s32 v22, v16;
	v16 =	vshll.u32 v31, $0x7  }
0x18a: {  	v2 =	vld.idx.msk [tilespmem:v2+s2+$0x0], $0xffff;
	v19 =	vadd.s32 v23, v16  }
0x18b: {  	v3 =	vld.idx.msk [tilespmem:v3+s2+$0x0], $0xffff  }
0x18c: {  	v16 =	vld.idx.msk [tilespmem:v4+s2+$0x0], $0xffff  }
0x18d: {  	v18 =	vld.idx.msk [tilespmem:v0+s2+$0x0], $0xffff;
	v0 =	vimm.f32 $0.0e+00  }
0x18e: {  	v17 =	vld.idx.msk [tilespmem:v17+s2+$0x0], $0xffff;
	v4 =	vadd.f32 v5, v0  }
0x18f: {  	v5 =	vadd.f32 v1, v0;
	v1 =	vimm.f32 $0.0e+00;
	v15 =	vld.idx.msk [tilespmem:v19+s2+$0x0], $0xffff;
	v6 =	vadd.f32 v2, v0  }
0x190: {  	s20 =	simm.s32 $0xA700;
	s19 =	simm.s32 $0x0;
	v19 =	vld.idx.msk [tilespmem:v20+s2+$0x0], $0xffff;
	v2 =	vimm.f32 $0.0e+00;
	v7 =	vadd.f32 v3, v0;
	v3 =	vimm.f32 $0.0e+00  }
.LBB2_8:
0x191: {  	v20 =	vld [tilespmem:s20+$0x0];
	v4 =	vadd.f32 v8, v4;
	v5 =	vadd.f32 v9, v5  }
0x192: {  	v8 =	vld [tilespmem:s20+$0x10];
	v6 =	vadd.f32 v11, v6;
	v7 =	vadd.f32 v13, v7  }
0x193: {  	v0 =	vadd.f32 v16, v0;
	v3 =	vadd.f32 v18, v3;
	v9 =	vld [tilespmem:s20+$0x20]  }
0x194: {  	v2 =	vadd.f32 v17, v2;
	v1 =	vadd.f32 v15, v1;
	v11 =	vld [tilespmem:s20+$0x30]  }
0x195: {  	v0 =	vadd.f32 v10, v0;
	v3 =	vadd.f32 v12, v3;
	v13 =	vld [tilespmem:s20+$0x40]  }
0x196: {  	v2 =	vadd.f32 v14, v2;
	v1 =	vadd.f32 v19, v1;
	v10 =	vld [tilespmem:s20+$0x50]  }
0x197: {  	v14 =	vld [tilespmem:s20+$0x60]  }
0x198: {  	v15 =	vld [tilespmem:s20+$0x70]  }
0x199: {  	v12 =	vld [tilespmem:s20+$0x80]  }
0x19a: {  	v16 =	vld [tilespmem:s20+$0x90]  }
0x19b: {  	v17 =	vld [tilespmem:s20+$0xA0]  }
0x19c: {  	v18 =	vld [tilespmem:s20+$0xB0]  }
0x19d: {  	v19 =	vld [tilespmem:s20+$0xC0]  }
0x19e: {  	v21 =	vld [tilespmem:s20+$0xD0]  }
0x19f: {  	v22 =	vld [tilespmem:s20+$0xE0]  }
0x1a0: {  	v23 =	vld [tilespmem:s20+$0xF0]  }
0x1a1: {  	v24 =	vld [tilespmem:s20+$0xFFFFFF00]  }
0x1a2: {  	v25 =	vld [tilespmem:s20+$0xFFFFFF10]  }
0x1a3: {  	v26 =	vld [tilespmem:s20+$0xFFFFFF20]  }
0x1a4: {  	v27 =	vld [tilespmem:s20+$0xFFFFFF30]  }
0x1a5: {  	v28 =	vld [tilespmem:s20+$0xFFFFFF40]  }
0x1a6: {  	v29 =	vld [tilespmem:s20+$0xFFFFFF50]  }
0x1a7: {  	v30 =	vld [tilespmem:s20+$0xFFFFFF60]  }
0x1a8: {  	v31 =	vld [tilespmem:s20+$0xFFFFFF70]  }
0x1a9: {  	v32 =	vld [tilespmem:s20+$0xFFFFFF80]  }
0x1aa: {  	v33 =	vld [tilespmem:s20+$0xFFFFFF90]  }
0x1ab: {  	v12 =	vshll.u32 v12, $0x7;
	v34 =	vld [tilespmem:s20+$0xFFFFFFA0]  }
0x1ac: {  	v12 =	vadd.s32 v20, v12;
	v16 =	vshll.u32 v16, $0x7;
	v35 =	vld [tilespmem:s20+$0xFFFFFFB0]  }
0x1ad: {  	v16 =	vadd.s32 v8, v16;
	v8 =	vshll.u32 v17, $0x7;
	v20 =	vld [tilespmem:s20+$0xFFFFFFC0]  }
0x1ae: {  	v36 =	vadd.s32 v9, v8;
	v8 =	vshll.u32 v18, $0x7;
	v17 =	vld [tilespmem:s20+$0xFFFFFFD0]  }
0x1af: {  	v37 =	vadd.s32 v11, v8;
	v8 =	vshll.u32 v19, $0x7;
	v18 =	vld [tilespmem:s20+$0xFFFFFFE0]  }
0x1b0: {  	v38 =	vadd.s32 v13, v8;
	v9 =	vshll.u32 v21, $0x7;
	v19 =	vld [tilespmem:s20+$0xFFFFFFF0]  }
0x1b1: {  	v11 =	vshll.u32 v32, $0x7;
	v8 =	vld.idx.msk [tilespmem:v12+s2+$0x0], $0xffff;
	v12 =	vadd.s32 v10, v9  }
0x1b2: {  	v21 =	vadd.s32 v24, v11;
	v10 =	vshll.u32 v33, $0x7;
	v9 =	vld.idx.msk [tilespmem:v16+s2+$0x0], $0xffff  }
0x1b3: {  	s19 =	sadd.s32 $0x2, s19;
	v16 =	vadd.s32 v25, v10;
	v10 =	vshll.u32 v34, $0x7;
	v11 =	vld.idx.msk [tilespmem:v36+s2+$0x0], $0xffff  }
0x1b4: {  	p0 =	slt.u32 s19, $0x62;
	v24 =	vadd.s32 v26, v10;
	v10 =	vshll.u32 v35, $0x7;
	v13 =	vld.idx.msk [tilespmem:v37+s2+$0x0], $0xffff  }
0x1b5: {  	v20 =	vshll.u32 v20, $0x7;
	v25 =	vadd.s32 v27, v10;
	v10 =	vld.idx.msk [tilespmem:v38+s2+$0x0], $0xffff  }
0x1b6: {  	v20 =	vadd.s32 v28, v20;
	v17 =	vshll.u32 v17, $0x7;
	v12 =	vld.idx.msk [tilespmem:v12+s2+$0x0], $0xffff  }
0x1b7: {  	v17 =	vadd.s32 v29, v17;
	v18 =	vshll.u32 v18, $0x7;
	v21 =	vld.idx.msk [tilespmem:v21+s2+$0x0], $0xffff  }
0x1b8: {  	v27 =	vadd.s32 v30, v18;
	v26 =	vld.idx.msk [tilespmem:v16+s2+$0x0], $0xffff;
	v16 =	vshll.u32 v19, $0x7  }
0x1b9: {  	v19 =	vld.idx.msk [tilespmem:v24+s2+$0x0], $0xffff;
	v24 =	vadd.s32 v31, v16;
	v16 =	vshll.u32 v22, $0x7  }
0x1ba: {  	v18 =	vshll.u32 v23, $0x7;
	v22 =	vld.idx.msk [tilespmem:v25+s2+$0x0], $0xffff;
	v14 =	vadd.s32 v14, v16  }
0x1bb: {  	v16 =	vld.idx.msk [tilespmem:v20+s2+$0x0], $0xffff;
	v20 =	vadd.s32 v15, v18  }
.Ltmp3:
0x1bc: {  	v18 =	vld.idx.msk [tilespmem:v17+s2+$0x0], $0xffff;
	(pc) =	sbr.rel @p0 .LBB2_8-.Ltmp3, $4  }
0x1bd: {  	v17 =	vld.idx.msk [tilespmem:v27+s2+$0x0], $0xffff  }
0x1be: {  	v15 =	vld.idx.msk [tilespmem:v24+s2+$0x0], $0xffff  }
0x1bf: {  	v4 =	vadd.f32 v21, v4;
	v5 =	vadd.f32 v26, v5;
	v14 =	vld.idx.msk [tilespmem:v14+s2+$0x0], $0xffff  }
0x1c0: {  	s20 =	sadd.s32 $0x200, s20;
	v6 =	vadd.f32 v19, v6;
	v7 =	vadd.f32 v22, v7;
	v19 =	vld.idx.msk [tilespmem:v20+s2+$0x0], $0xffff  }
0x1c1: {  	v4 =	vadd.f32 v8, v4  }
0x1c2: {  	v5 =	vadd.f32 v9, v5  }
0x1c3: {  	v0 =	vadd.f32 v16, v0;
	v6 =	vadd.f32 v11, v6;
	[tilespmem:$0x10980] =	vst v4  }
0x1c4: {  	v3 =	vadd.f32 v18, v3;
	v62 =	vadd.f32 v13, v7;
	[tilespmem:$0x10990] =	vst v5  }
0x1c5: {  	v2 =	vadd.f32 v17, v2;
	v0 =	vadd.f32 v10, v0;
	[tilespmem:$0x109A0] =	vst v6  }
0x1c6: {  	v1 =	vadd.f32 v15, v1;
	v3 =	vadd.f32 v12, v3;
	[tilespmem:$0x109B0] =	vst v62  }
0x1c7: {  	v2 =	vadd.f32 v14, v2;
	[tilespmem:$0x109C0] =	vst v0  }
0x1c8: {  	s18 =	sadd.s32 $0x1, s18;
	v63 =	vadd.f32 v19, v1;
	[tilespmem:$0x109D0] =	vst v3  }
0x1c9: {  	p0 =	sne.s32 s18, s9;
	[tilespmem:$0x109E0] =	vst v2  }
.Ltmp4:
0x1ca: {  	[tilespmem:$0x109F0] =	vst v63;
	(pc) =	sbr.rel @p0 .LBB2_1-.Ltmp4, $4  }
0x1cb: {  	[hbm4b:s8+s2] =	stream.linear.scatter [tilespmem:s17], [sflag:$0x3], $0x200, $0x38;
	[tilespmem:$0x10A00] =	vst v63  }
0x1cc: {  	_ =	swait.ge [sflag:s10], $0x200  }
0x1cd: {  	[sflag:s10] =	ssyncset.done $0x0  }
0x1ce: {  	[sflag:s10] =	ssyncadd.s32 $0xFFFFFE00  }
0x1cf: {  	_ =	sfence.sel $0x180000  }
0x1d0: {  	[bflag:$0x0] =	sbarrier.arrive $0xFFFF  }
0x1d1: {  	p0 =	sne.s32 s1, $0x0;
	_ =	strace $0x90000047  }
0x1d2: {  	s0 =	sadd.s32 @!p0 $0x100000, s0;
	[bflag:$0x2] =	sbarrier.arrive $0xFFFF  }
0x1d3: {  	[sflag:s0] =	ssyncadd.tile.s32 @!p0 $0x1;
	_ =	shalt  }
.Lfunc_end2:
_tile_overlayer_lowered:
.L_overlay_start_2:
0x1d4: {  	(tag) =	ssettag $0x2  }
0x1d5: {  	s0 =	rddreg [dreg:$0x0];
	s2 =	stileid.u32  }
0x1d6: {  	s1 =	rddreg [dreg:$0x1];
	p0 =	sne.s32 s2, $0x0  }
0x1d7: {  	s3 =	rddreg [dreg:$0x2];
	[bflag:$0x3] =	sbarrier.arrive $0xFFFF;
	s2 =	simm.s32 @!p0 $0x1C03  }
0x1d8: {  	[timem:s3], [sflag:s2] =	dma.local @!p0 [hbm:s0], s1  }
0x1d9: {  	s0 =	simm.s32 @!p0 $0x3  }
0x1da: {  	_ =	swait.ge @!p0 [sflag:s0], s1  }
0x1db: {  	s1 =	ssub.s32 @!p0 $0x0, s1;
	[sflag:s0] =	ssyncset.done @!p0 $0x0  }
0x1dc: {  	[sflag:s0] =	ssyncadd.s32 @!p0 s1  }
0x1dd: {  	[bflag:$0x3] =	sbarrier.arrive $0xFFFF  }
0x1de: {  	_ =	shalt  }

</sc_bundles>
